<compile_context>
chip_gen: v7x
topology: tpu7x:2x2x1
jax: 0.10.2.dev20260603
libtpu: 0.0.44.dev20260713+nightly
codegen_flags: <defaults>
</compile_context>

<pallas_src>
import functools

import jax
import jax.numpy as jnp
from jax import lax
from jax.experimental import pallas as pl
from jax.experimental.pallas import tpu as pltpu
from jax.experimental.pallas import tpu_sc as plsc

_NUM_EXPERTS = 64
_DROP_RATE = 0.1
_NC = 2
_NS = 16
_L = 16

_B = 4
_S = 8192
_K = 8
_TOTAL = _B * _S * _K
_PER_W = _TOTAL // (_NC * _NS)
_GROUPS = _PER_W // (_K * 128)
_ITERS = _GROUPS * (128 // _L)

_MASK_W0 = 0x77EFDFFF
_MASK_W1 = 0xFDEFFFAF


def _sc_body(w_hbm, idx_hbm, out_hbm, w_v, idx_v, out_v, sem_w, sem_i):
    wid = lax.axis_index("s") * _NC + lax.axis_index("c")
    base = wid * _PER_W
    cp_w = pltpu.async_copy(w_hbm.at[pl.ds(base, _PER_W)], w_v, sem_w)
    cp_i = pltpu.async_copy(idx_hbm.at[pl.ds(base, _PER_W)], idx_v, sem_i)
    cp_w.wait()
    cp_i.wait()

    w0 = jnp.full((_L,), _MASK_W0, dtype=jnp.uint32)
    w1 = jnp.full((_L,), _MASK_W1, dtype=jnp.uint32)

    @plsc.parallel_loop(0, _ITERS, unroll=8)
    def _(i):
        off0 = (i >> 3) * (_K * 128) + (i & 7) * _L
        s_regs = []
        denom = None
        for k in range(_K):
            off = off0 + k * 128
            idx = idx_v[pl.ds(off, _L)]
            sh = (idx & 31).astype(jnp.uint32)
            bits = jnp.where(idx < 32, w0 >> sh, w1 >> sh) & 1
            s_k = w_v[pl.ds(off, _L)] * bits.astype(jnp.float32)
            s_regs.append(s_k)
            denom = s_k if denom is None else denom + s_k
        r = 1.0 / (denom + 1e-10)
        for k in range(_K):
            out_v[pl.ds(off0 + k * 128, _L)] = s_regs[k] * r

    pltpu.sync_copy(out_v, out_hbm.at[pl.ds(base, _PER_W)])


@functools.partial(
    pl.kernel,
    out_type=jax.ShapeDtypeStruct((_TOTAL,), jnp.float32),
    mesh=plsc.VectorSubcoreMesh(
        core_axis_name="c", subcore_axis_name="s",
        num_cores=_NC, num_subcores=_NS),
    scratch_types=[
        pltpu.VMEM((_PER_W,), jnp.float32),
        pltpu.VMEM((_PER_W,), jnp.int32),
        pltpu.VMEM((_PER_W,), jnp.float32),
        pltpu.SemaphoreType.DMA,
        pltpu.SemaphoreType.DMA,
    ],
    compiler_params=pltpu.CompilerParams(needs_layout_passes=False),
    name="expert_dropout_sc",
)
def _expert_dropout_sc(w_hbm, idx_hbm, out_hbm, w_v, idx_v, out_v,
                       sem_w, sem_i):
    _sc_body(w_hbm, idx_hbm, out_hbm, w_v, idx_v, out_v, sem_w, sem_i)


def _phys_flat(x):
    return (x.transpose(0, 2, 1).reshape(_B, _K, _S // 128, 128)
            .transpose(0, 2, 1, 3).reshape(_TOTAL))


def _unphys(flat):
    return (flat.reshape(_B, _S // 128, _K, 128).transpose(0, 2, 1, 3)
            .reshape(_B, _K, _S).transpose(0, 2, 1))


def kernel(expert_weights, expert_indices):
    idx = expert_indices
    if idx.dtype != jnp.int32:
        idx = idx.astype(jnp.int32)
    out = _expert_dropout_sc(_phys_flat(expert_weights), _phys_flat(idx))
    return (_unphys(out), expert_indices)

# --- scband reference (transcript-rebuilt; emitter-appended) ---
"""Pipeline reference for scband-expert-dropout-57621281243486 (READ-ONLY COPY).

The authoritative reference and input builder live on the scoring server;
editing this copy changes nothing except your own understanding.
"""

import jax, jax.numpy as jnp
import numpy as np

NUM_EXPERTS = 64
DROP_RATE = 0.1

def setup_inputs(seed: int = 0) -> dict:
    key = jax.random.key(seed)
    k1, k2 = jax.random.split(key)
    expert_weights = jax.random.uniform(k1, (4, 8192, 8), dtype=jnp.float32)
    expert_indices = jax.random.randint(k2, (4, 8192, 8), 0, NUM_EXPERTS, dtype=jnp.int64)
    return {"expert_weights": expert_weights, "expert_indices": expert_indices}

def reference(expert_weights, expert_indices):
    # training-mode path: sample a per-expert keep mask, gather per-token mask,
    # zero dropped experts' weights and renormalize. Uses a fixed PRNG key for
    # determinism (torch bernoulli is nondeterministic across frameworks).
    mask_key = jax.random.key(1234)
    drop_mask = jax.random.bernoulli(mask_key, 1.0 - DROP_RATE, (NUM_EXPERTS,)).astype(expert_weights.dtype)
    expert_mask = jnp.take(drop_mask, expert_indices, axis=0)  # gather [B,S,K]
    modified_weights = expert_weights * expert_mask
    weight_sum = jnp.sum(modified_weights, axis=-1, keepdims=True)
    modified_weights = modified_weights / (weight_sum + 1e-10)
    return (modified_weights, expert_indices)

if __name__ == "__main__":
    import jax
    _d = setup_inputs()
    print(jax.jit(kernel)(*tuple(_d.values())))

</pallas_src>

<mosaic_0001>
#map = affine_map<(d0, d1) -> (0)>
module attributes {stable_mosaic.version = 14 : i64} {
  func.func @expert_dropout_sc(%arg0: i32, %arg1: i32, %arg2: memref<262144xf32, #tpu.memory_space<hbm>>, %arg3: memref<262144xi32, #tpu.memory_space<hbm>>, %arg4: memref<262144xf32, #tpu.memory_space<hbm>>, %arg5: memref<8192xf32, #tpu.memory_space<vmem>>, %arg6: memref<8192xi32, #tpu.memory_space<vmem>>, %arg7: memref<8192xf32, #tpu.memory_space<vmem>>, %arg8: memref<!tpu.dma_semaphore, #tpu.memory_space<semaphore_mem>>, %arg9: memref<!tpu.dma_semaphore, #tpu.memory_space<semaphore_mem>>) attributes {dimension_semantics = [#tpu.dimension_semantics<core_parallel>, #tpu.dimension_semantics<subcore_parallel>], iteration_bounds = array<i64: 2, 16>, scalar_prefetch = 0 : i64, scratch_operands = 5 : i64, tpu.core_type = #tpu.core_type<sc_vector_subcore>, window_params = [{transform_indices = #map}, {transform_indices = #map}, {transform_indices = #map}]} {
    %mul3A = arith.constant 2 : i32
    %mul3A_0 = arith.muli %arg1, %mul3A : i32
    %add3A = arith.addi %mul3A_0, %arg0 : i32
    %mul3A_1 = arith.constant 8192 : i32
    %mul3A_2 = arith.muli %add3A, %mul3A_1 : i32
    %dma_start3A = tpu.memref_slice %arg2[%mul3A_2] : memref<262144xf32, #tpu.memory_space<hbm>> -> memref<8192xf32, #tpu.memory_space<hbm>>
    %dma_start3A_3 = tpu.memref_slice %arg2[%mul3A_2] : memref<262144xf32, #tpu.memory_space<hbm>> -> memref<8192xf32, #tpu.memory_space<hbm>>
    tpu.enqueue_dma source(%dma_start3A_3 : memref<8192xf32, #tpu.memory_space<hbm>>) target(%arg5 : memref<8192xf32, #tpu.memory_space<vmem>>) target_semaphore(%arg8 : memref<!tpu.dma_semaphore, #tpu.memory_space<semaphore_mem>>)
    %dma_start3A_4 = tpu.memref_slice %arg3[%mul3A_2] : memref<262144xi32, #tpu.memory_space<hbm>> -> memref<8192xi32, #tpu.memory_space<hbm>>
    %dma_start3A_5 = tpu.memref_slice %arg3[%mul3A_2] : memref<262144xi32, #tpu.memory_space<hbm>> -> memref<8192xi32, #tpu.memory_space<hbm>>
    tpu.enqueue_dma source(%dma_start3A_5 : memref<8192xi32, #tpu.memory_space<hbm>>) target(%arg6 : memref<8192xi32, #tpu.memory_space<vmem>>) target_semaphore(%arg9 : memref<!tpu.dma_semaphore, #tpu.memory_space<semaphore_mem>>)
    %dma_wait3A = tpu.memref_slice %arg2[%mul3A_2] : memref<262144xf32, #tpu.memory_space<hbm>> -> memref<8192xf32, #tpu.memory_space<hbm>>
    %dma_wait3A_6 = tpu.memref_slice %arg2[%mul3A_2] : memref<262144xf32, #tpu.memory_space<hbm>> -> memref<8192xf32, #tpu.memory_space<hbm>>
    tpu.wait_dma2 semaphore(%arg8 : memref<!tpu.dma_semaphore, #tpu.memory_space<semaphore_mem>>) src(%dma_wait3A_6 : memref<8192xf32, #tpu.memory_space<hbm>>) dst(%arg5 : memref<8192xf32, #tpu.memory_space<vmem>>)
    %dma_wait3A_7 = tpu.memref_slice %arg3[%mul3A_2] : memref<262144xi32, #tpu.memory_space<hbm>> -> memref<8192xi32, #tpu.memory_space<hbm>>
    %dma_wait3A_8 = tpu.memref_slice %arg3[%mul3A_2] : memref<262144xi32, #tpu.memory_space<hbm>> -> memref<8192xi32, #tpu.memory_space<hbm>>
    tpu.wait_dma2 semaphore(%arg9 : memref<!tpu.dma_semaphore, #tpu.memory_space<semaphore_mem>>) src(%dma_wait3A_8 : memref<8192xi32, #tpu.memory_space<hbm>>) dst(%arg6 : memref<8192xi32, #tpu.memory_space<vmem>>)
    %broadcast_in_dim3A = arith.constant 2012209151 : i32
    %broadcast_in_dim3A_9 = vector.broadcast %broadcast_in_dim3A : i32 to vector<16xi32>
    %broadcast_in_dim3A_10 = arith.constant -34603089 : i32
    %broadcast_in_dim3A_11 = vector.broadcast %broadcast_in_dim3A_10 : i32 to vector<16xi32>
    %parallel_loop3A = arith.constant 0 : i32
    %parallel_loop3A_12 = arith.constant 64 : i32
    %parallel_loop3A_13 = arith.constant 1 : i32
    scf.for %parallel_loop3A_14 = %parallel_loop3A to %parallel_loop3A_12 step %parallel_loop3A_13  : i32 {
      %parallel_loop3A_15 = arith.constant 3 : i32
      %parallel_loop3A_16 = arith.shrsi %parallel_loop3A_14, %parallel_loop3A_15 : i32
      %parallel_loop3A_17 = arith.constant 1024 : i32
      %parallel_loop3A_18 = arith.muli %parallel_loop3A_16, %parallel_loop3A_17 : i32
      %parallel_loop3A_19 = arith.constant 7 : i32
      %parallel_loop3A_20 = arith.andi %parallel_loop3A_14, %parallel_loop3A_19 : i32
      %parallel_loop3A_21 = arith.constant 16 : i32
      %parallel_loop3A_22 = arith.muli %parallel_loop3A_20, %parallel_loop3A_21 : i32
      %parallel_loop3A_23 = arith.addi %parallel_loop3A_18, %parallel_loop3A_22 : i32
      %parallel_loop3A_24 = arith.constant 0 : i32
      %parallel_loop3A_25 = arith.addi %parallel_loop3A_23, %parallel_loop3A_24 : i32
      %parallel_loop3A_26 = arith.index_cast %parallel_loop3A_25 : i32 to index
      %parallel_loop3A_27 = tpu.vector_load %arg6[%parallel_loop3A_26] {strides = array<i32>} : memref<8192xi32, #tpu.memory_space<vmem>>, vector<16xi32>,
      %parallel_loop3A_28 = arith.constant 31 : i32
      %parallel_loop3A_29 = vector.broadcast %parallel_loop3A_28 : i32 to vector<16xi32>
      %parallel_loop3A_30 = arith.andi %parallel_loop3A_27, %parallel_loop3A_29 : vector<16xi32>
      %parallel_loop3A_31 = arith.constant 32 : i32
      %parallel_loop3A_32 = vector.broadcast %parallel_loop3A_31 : i32 to vector<16xi32>
      %parallel_loop3A_33 = arith.cmpi slt, %parallel_loop3A_27, %parallel_loop3A_32 : vector<16xi32>
      %parallel_loop3A_34 = arith.shrui %broadcast_in_dim3A_9, %parallel_loop3A_30 : vector<16xi32>
      %parallel_loop3A_35 = arith.shrui %broadcast_in_dim3A_11, %parallel_loop3A_30 : vector<16xi32>
      %parallel_loop3A_36 = arith.select %parallel_loop3A_33, %parallel_loop3A_34, %parallel_loop3A_35 : vector<16xi1>, vector<16xi32>
      %parallel_loop3A_37 = arith.constant 1 : i32
      %parallel_loop3A_38 = vector.broadcast %parallel_loop3A_37 : i32 to vector<16xi32>
      %parallel_loop3A_39 = arith.andi %parallel_loop3A_36, %parallel_loop3A_38 : vector<16xi32>
      %parallel_loop3A_40 = arith.index_cast %parallel_loop3A_25 : i32 to index
      %parallel_loop3A_41 = tpu.vector_load %arg5[%parallel_loop3A_40] {strides = array<i32>} : memref<8192xf32, #tpu.memory_space<vmem>>, vector<16xf32>,
      %parallel_loop3A_42 = arith.uitofp %parallel_loop3A_39 : vector<16xi32> to vector<16xf32>
      %parallel_loop3A_43 = arith.mulf %parallel_loop3A_41, %parallel_loop3A_42 : vector<16xf32>
      %parallel_loop3A_44 = arith.constant 128 : i32
      %parallel_loop3A_45 = arith.addi %parallel_loop3A_23, %parallel_loop3A_44 : i32
      %parallel_loop3A_46 = arith.index_cast %parallel_loop3A_45 : i32 to index
      %parallel_loop3A_47 = tpu.vector_load %arg6[%parallel_loop3A_46] {strides = array<i32>} : memref<8192xi32, #tpu.memory_space<vmem>>, vector<16xi32>,
      %parallel_loop3A_48 = arith.constant 31 : i32
      %parallel_loop3A_49 = vector.broadcast %parallel_loop3A_48 : i32 to vector<16xi32>
      %parallel_loop3A_50 = arith.andi %parallel_loop3A_47, %parallel_loop3A_49 : vector<16xi32>
      %parallel_loop3A_51 = arith.constant 32 : i32
      %parallel_loop3A_52 = vector.broadcast %parallel_loop3A_51 : i32 to vector<16xi32>
      %parallel_loop3A_53 = arith.cmpi slt, %parallel_loop3A_47, %parallel_loop3A_52 : vector<16xi32>
      %parallel_loop3A_54 = arith.shrui %broadcast_in_dim3A_9, %parallel_loop3A_50 : vector<16xi32>
      %parallel_loop3A_55 = arith.shrui %broadcast_in_dim3A_11, %parallel_loop3A_50 : vector<16xi32>
      %parallel_loop3A_56 = arith.select %parallel_loop3A_53, %parallel_loop3A_54, %parallel_loop3A_55 : vector<16xi1>, vector<16xi32>
      %parallel_loop3A_57 = arith.constant 1 : i32
      %parallel_loop3A_58 = vector.broadcast %parallel_loop3A_57 : i32 to vector<16xi32>
      %parallel_loop3A_59 = arith.andi %parallel_loop3A_56, %parallel_loop3A_58 : vector<16xi32>
      %parallel_loop3A_60 = arith.index_cast %parallel_loop3A_45 : i32 to index
      %parallel_loop3A_61 = tpu.vector_load %arg5[%parallel_loop3A_60] {strides = array<i32>} : memref<8192xf32, #tpu.memory_space<vmem>>, vector<16xf32>,
      %parallel_loop3A_62 = arith.uitofp %parallel_loop3A_59 : vector<16xi32> to vector<16xf32>
      %parallel_loop3A_63 = arith.mulf %parallel_loop3A_61, %parallel_loop3A_62 : vector<16xf32>
      %parallel_loop3A_64 = arith.addf %parallel_loop3A_43, %parallel_loop3A_63 : vector<16xf32>
      %parallel_loop3A_65 = arith.constant 256 : i32
      %parallel_loop3A_66 = arith.addi %parallel_loop3A_23, %parallel_loop3A_65 : i32
      %parallel_loop3A_67 = arith.index_cast %parallel_loop3A_66 : i32 to index
      %parallel_loop3A_68 = tpu.vector_load %arg6[%parallel_loop3A_67] {strides = array<i32>} : memref<8192xi32, #tpu.memory_space<vmem>>, vector<16xi32>,
      %parallel_loop3A_69 = arith.constant 31 : i32
      %parallel_loop3A_70 = vector.broadcast %parallel_loop3A_69 : i32 to vector<16xi32>
      %parallel_loop3A_71 = arith.andi %parallel_loop3A_68, %parallel_loop3A_70 : vector<16xi32>
      %parallel_loop3A_72 = arith.constant 32 : i32
      %parallel_loop3A_73 = vector.broadcast %parallel_loop3A_72 : i32 to vector<16xi32>
      %parallel_loop3A_74 = arith.cmpi slt, %parallel_loop3A_68, %parallel_loop3A_73 : vector<16xi32>
      %parallel_loop3A_75 = arith.shrui %broadcast_in_dim3A_9, %parallel_loop3A_71 : vector<16xi32>
      %parallel_loop3A_76 = arith.shrui %broadcast_in_dim3A_11, %parallel_loop3A_71 : vector<16xi32>
      %parallel_loop3A_77 = arith.select %parallel_loop3A_74, %parallel_loop3A_75, %parallel_loop3A_76 : vector<16xi1>, vector<16xi32>
      %parallel_loop3A_78 = arith.constant 1 : i32
      %parallel_loop3A_79 = vector.broadcast %parallel_loop3A_78 : i32 to vector<16xi32>
      %parallel_loop3A_80 = arith.andi %parallel_loop3A_77, %parallel_loop3A_79 : vector<16xi32>
      %parallel_loop3A_81 = arith.index_cast %parallel_loop3A_66 : i32 to index
      %parallel_loop3A_82 = tpu.vector_load %arg5[%parallel_loop3A_81] {strides = array<i32>} : memref<8192xf32, #tpu.memory_space<vmem>>, vector<16xf32>,
      %parallel_loop3A_83 = arith.uitofp %parallel_loop3A_80 : vector<16xi32> to vector<16xf32>
      %parallel_loop3A_84 = arith.mulf %parallel_loop3A_82, %parallel_loop3A_83 : vector<16xf32>
      %parallel_loop3A_85 = arith.addf %parallel_loop3A_64, %parallel_loop3A_84 : vector<16xf32>
      %parallel_loop3A_86 = arith.constant 384 : i32
      %parallel_loop3A_87 = arith.addi %parallel_loop3A_23, %parallel_loop3A_86 : i32
      %parallel_loop3A_88 = arith.index_cast %parallel_loop3A_87 : i32 to index
      %parallel_loop3A_89 = tpu.vector_load %arg6[%parallel_loop3A_88] {strides = array<i32>} : memref<8192xi32, #tpu.memory_space<vmem>>, vector<16xi32>,
      %parallel_loop3A_90 = arith.constant 31 : i32
      %parallel_loop3A_91 = vector.broadcast %parallel_loop3A_90 : i32 to vector<16xi32>
      %parallel_loop3A_92 = arith.andi %parallel_loop3A_89, %parallel_loop3A_91 : vector<16xi32>
      %parallel_loop3A_93 = arith.constant 32 : i32
      %parallel_loop3A_94 = vector.broadcast %parallel_loop3A_93 : i32 to vector<16xi32>
      %parallel_loop3A_95 = arith.cmpi slt, %parallel_loop3A_89, %parallel_loop3A_94 : vector<16xi32>
      %parallel_loop3A_96 = arith.shrui %broadcast_in_dim3A_9, %parallel_loop3A_92 : vector<16xi32>
      %parallel_loop3A_97 = arith.shrui %broadcast_in_dim3A_11, %parallel_loop3A_92 : vector<16xi32>
      %parallel_loop3A_98 = arith.select %parallel_loop3A_95, %parallel_loop3A_96, %parallel_loop3A_97 : vector<16xi1>, vector<16xi32>
      %parallel_loop3A_99 = arith.constant 1 : i32
      %parallel_loop3A_100 = vector.broadcast %parallel_loop3A_99 : i32 to vector<16xi32>
      %parallel_loop3A_101 = arith.andi %parallel_loop3A_98, %parallel_loop3A_100 : vector<16xi32>
      %parallel_loop3A_102 = arith.index_cast %parallel_loop3A_87 : i32 to index
      %parallel_loop3A_103 = tpu.vector_load %arg5[%parallel_loop3A_102] {strides = array<i32>} : memref<8192xf32, #tpu.memory_space<vmem>>, vector<16xf32>,
      %parallel_loop3A_104 = arith.uitofp %parallel_loop3A_101 : vector<16xi32> to vector<16xf32>
      %parallel_loop3A_105 = arith.mulf %parallel_loop3A_103, %parallel_loop3A_104 : vector<16xf32>
      %parallel_loop3A_106 = arith.addf %parallel_loop3A_85, %parallel_loop3A_105 : vector<16xf32>
      %parallel_loop3A_107 = arith.constant 512 : i32
      %parallel_loop3A_108 = arith.addi %parallel_loop3A_23, %parallel_loop3A_107 : i32
      %parallel_loop3A_109 = arith.index_cast %parallel_loop3A_108 : i32 to index
      %parallel_loop3A_110 = tpu.vector_load %arg6[%parallel_loop3A_109] {strides = array<i32>} : memref<8192xi32, #tpu.memory_space<vmem>>, vector<16xi32>,
      %parallel_loop3A_111 = arith.constant 31 : i32
      %parallel_loop3A_112 = vector.broadcast %parallel_loop3A_111 : i32 to vector<16xi32>
      %parallel_loop3A_113 = arith.andi %parallel_loop3A_110, %parallel_loop3A_112 : vector<16xi32>
      %parallel_loop3A_114 = arith.constant 32 : i32
      %parallel_loop3A_115 = vector.broadcast %parallel_loop3A_114 : i32 to vector<16xi32>
      %parallel_loop3A_116 = arith.cmpi slt, %parallel_loop3A_110, %parallel_loop3A_115 : vector<16xi32>
      %parallel_loop3A_117 = arith.shrui %broadcast_in_dim3A_9, %parallel_loop3A_113 : vector<16xi32>
      %parallel_loop3A_118 = arith.shrui %broadcast_in_dim3A_11, %parallel_loop3A_113 : vector<16xi32>
      %parallel_loop3A_119 = arith.select %parallel_loop3A_116, %parallel_loop3A_117, %parallel_loop3A_118 : vector<16xi1>, vector<16xi32>
      %parallel_loop3A_120 = arith.constant 1 : i32
      %parallel_loop3A_121 = vector.broadcast %parallel_loop3A_120 : i32 to vector<16xi32>
      %parallel_loop3A_122 = arith.andi %parallel_loop3A_119, %parallel_loop3A_121 : vector<16xi32>
      %parallel_loop3A_123 = arith.index_cast %parallel_loop3A_108 : i32 to index
      %parallel_loop3A_124 = tpu.vector_load %arg5[%parallel_loop3A_123] {strides = array<i32>} : memref<8192xf32, #tpu.memory_space<vmem>>, vector<16xf32>,
      %parallel_loop3A_125 = arith.uitofp %parallel_loop3A_122 : vector<16xi32> to vector<16xf32>
      %parallel_loop3A_126 = arith.mulf %parallel_loop3A_124, %parallel_loop3A_125 : vector<16xf32>
      %parallel_loop3A_127 = arith.addf %parallel_loop3A_106, %parallel_loop3A_126 : vector<16xf32>
      %parallel_loop3A_128 = arith.constant 640 : i32
      %parallel_loop3A_129 = arith.addi %parallel_loop3A_23, %parallel_loop3A_128 : i32
      %parallel_loop3A_130 = arith.index_cast %parallel_loop3A_129 : i32 to index
      %parallel_loop3A_131 = tpu.vector_load %arg6[%parallel_loop3A_130] {strides = array<i32>} : memref<8192xi32, #tpu.memory_space<vmem>>, vector<16xi32>,
      %parallel_loop3A_132 = arith.constant 31 : i32
      %parallel_loop3A_133 = vector.broadcast %parallel_loop3A_132 : i32 to vector<16xi32>
      %parallel_loop3A_134 = arith.andi %parallel_loop3A_131, %parallel_loop3A_133 : vector<16xi32>
      %parallel_loop3A_135 = arith.constant 32 : i32
      %parallel_loop3A_136 = vector.broadcast %parallel_loop3A_135 : i32 to vector<16xi32>
      %parallel_loop3A_137 = arith.cmpi slt, %parallel_loop3A_131, %parallel_loop3A_136 : vector<16xi32>
      %parallel_loop3A_138 = arith.shrui %broadcast_in_dim3A_9, %parallel_loop3A_134 : vector<16xi32>
      %parallel_loop3A_139 = arith.shrui %broadcast_in_dim3A_11, %parallel_loop3A_134 : vector<16xi32>
      %parallel_loop3A_140 = arith.select %parallel_loop3A_137, %parallel_loop3A_138, %parallel_loop3A_139 : vector<16xi1>, vector<16xi32>
      %parallel_loop3A_141 = arith.constant 1 : i32
      %parallel_loop3A_142 = vector.broadcast %parallel_loop3A_141 : i32 to vector<16xi32>
      %parallel_loop3A_143 = arith.andi %parallel_loop3A_140, %parallel_loop3A_142 : vector<16xi32>
      %parallel_loop3A_144 = arith.index_cast %parallel_loop3A_129 : i32 to index
      %parallel_loop3A_145 = tpu.vector_load %arg5[%parallel_loop3A_144] {strides = array<i32>} : memref<8192xf32, #tpu.memory_space<vmem>>, vector<16xf32>,
      %parallel_loop3A_146 = arith.uitofp %parallel_loop3A_143 : vector<16xi32> to vector<16xf32>
      %parallel_loop3A_147 = arith.mulf %parallel_loop3A_145, %parallel_loop3A_146 : vector<16xf32>
      %parallel_loop3A_148 = arith.addf %parallel_loop3A_127, %parallel_loop3A_147 : vector<16xf32>
      %parallel_loop3A_149 = arith.constant 768 : i32
      %parallel_loop3A_150 = arith.addi %parallel_loop3A_23, %parallel_loop3A_149 : i32
      %parallel_loop3A_151 = arith.index_cast %parallel_loop3A_150 : i32 to index
      %parallel_loop3A_152 = tpu.vector_load %arg6[%parallel_loop3A_151] {strides = array<i32>} : memref<8192xi32, #tpu.memory_space<vmem>>, vector<16xi32>,
      %parallel_loop3A_153 = arith.constant 31 : i32
      %parallel_loop3A_154 = vector.broadcast %parallel_loop3A_153 : i32 to vector<16xi32>
      %parallel_loop3A_155 = arith.andi %parallel_loop3A_152, %parallel_loop3A_154 : vector<16xi32>
      %parallel_loop3A_156 = arith.constant 32 : i32
      %parallel_loop3A_157 = vector.broadcast %parallel_loop3A_156 : i32 to vector<16xi32>
      %parallel_loop3A_158 = arith.cmpi slt, %parallel_loop3A_152, %parallel_loop3A_157 : vector<16xi32>
      %parallel_loop3A_159 = arith.shrui %broadcast_in_dim3A_9, %parallel_loop3A_155 : vector<16xi32>
      %parallel_loop3A_160 = arith.shrui %broadcast_in_dim3A_11, %parallel_loop3A_155 : vector<16xi32>
      %parallel_loop3A_161 = arith.select %parallel_loop3A_158, %parallel_loop3A_159, %parallel_loop3A_160 : vector<16xi1>, vector<16xi32>
      %parallel_loop3A_162 = arith.constant 1 : i32
      %parallel_loop3A_163 = vector.broadcast %parallel_loop3A_162 : i32 to vector<16xi32>
      %parallel_loop3A_164 = arith.andi %parallel_loop3A_161, %parallel_loop3A_163 : vector<16xi32>
      %parallel_loop3A_165 = arith.index_cast %parallel_loop3A_150 : i32 to index
      %parallel_loop3A_166 = tpu.vector_load %arg5[%parallel_loop3A_165] {strides = array<i32>} : memref<8192xf32, #tpu.memory_space<vmem>>, vector<16xf32>,
      %parallel_loop3A_167 = arith.uitofp %parallel_loop3A_164 : vector<16xi32> to vector<16xf32>
      %parallel_loop3A_168 = arith.mulf %parallel_loop3A_166, %parallel_loop3A_167 : vector<16xf32>
      %parallel_loop3A_169 = arith.addf %parallel_loop3A_148, %parallel_loop3A_168 : vector<16xf32>
      %parallel_loop3A_170 = arith.constant 896 : i32
      %parallel_loop3A_171 = arith.addi %parallel_loop3A_23, %parallel_loop3A_170 : i32
      %parallel_loop3A_172 = arith.index_cast %parallel_loop3A_171 : i32 to index
      %parallel_loop3A_173 = tpu.vector_load %arg6[%parallel_loop3A_172] {strides = array<i32>} : memref<8192xi32, #tpu.memory_space<vmem>>, vector<16xi32>,
      %parallel_loop3A_174 = arith.constant 31 : i32
      %parallel_loop3A_175 = vector.broadcast %parallel_loop3A_174 : i32 to vector<16xi32>
      %parallel_loop3A_176 = arith.andi %parallel_loop3A_173, %parallel_loop3A_175 : vector<16xi32>
      %parallel_loop3A_177 = arith.constant 32 : i32
      %parallel_loop3A_178 = vector.broadcast %parallel_loop3A_177 : i32 to vector<16xi32>
      %parallel_loop3A_179 = arith.cmpi slt, %parallel_loop3A_173, %parallel_loop3A_178 : vector<16xi32>
      %parallel_loop3A_180 = arith.shrui %broadcast_in_dim3A_9, %parallel_loop3A_176 : vector<16xi32>
      %parallel_loop3A_181 = arith.shrui %broadcast_in_dim3A_11, %parallel_loop3A_176 : vector<16xi32>
      %parallel_loop3A_182 = arith.select %parallel_loop3A_179, %parallel_loop3A_180, %parallel_loop3A_181 : vector<16xi1>, vector<16xi32>
      %parallel_loop3A_183 = arith.constant 1 : i32
      %parallel_loop3A_184 = vector.broadcast %parallel_loop3A_183 : i32 to vector<16xi32>
      %parallel_loop3A_185 = arith.andi %parallel_loop3A_182, %parallel_loop3A_184 : vector<16xi32>
      %parallel_loop3A_186 = arith.index_cast %parallel_loop3A_171 : i32 to index
      %parallel_loop3A_187 = tpu.vector_load %arg5[%parallel_loop3A_186] {strides = array<i32>} : memref<8192xf32, #tpu.memory_space<vmem>>, vector<16xf32>,
      %parallel_loop3A_188 = arith.uitofp %parallel_loop3A_185 : vector<16xi32> to vector<16xf32>
      %parallel_loop3A_189 = arith.mulf %parallel_loop3A_187, %parallel_loop3A_188 : vector<16xf32>
      %parallel_loop3A_190 = arith.addf %parallel_loop3A_169, %parallel_loop3A_189 : vector<16xf32>
      %parallel_loop3A_191 = arith.constant 1.000000e-10 : f32
      %parallel_loop3A_192 = vector.broadcast %parallel_loop3A_191 : f32 to vector<16xf32>
      %parallel_loop3A_193 = arith.addf %parallel_loop3A_190, %parallel_loop3A_192 : vector<16xf32>
      %parallel_loop3A_194 = arith.constant 1.000000e+00 : f32
      %parallel_loop3A_195 = vector.broadcast %parallel_loop3A_194 : f32 to vector<16xf32>
      %parallel_loop3A_196 = arith.divf %parallel_loop3A_195, %parallel_loop3A_193 : vector<16xf32>
      %parallel_loop3A_197 = arith.mulf %parallel_loop3A_43, %parallel_loop3A_196 : vector<16xf32>
      %parallel_loop3A_198 = arith.constant 0 : i32
      %parallel_loop3A_199 = arith.addi %parallel_loop3A_23, %parallel_loop3A_198 : i32
      %parallel_loop3A_200 = arith.index_cast %parallel_loop3A_199 : i32 to index
      %parallel_loop3A_201 = tpu.vector_load %arg7[%parallel_loop3A_200] {strides = array<i32>} : memref<8192xf32, #tpu.memory_space<vmem>>, vector<16xf32>,
      tpu.vector_store %arg7[%parallel_loop3A_200], %parallel_loop3A_197 {strides = array<i32>} : memref<8192xf32, #tpu.memory_space<vmem>>, vector<16xf32>,
      %parallel_loop3A_202 = arith.mulf %parallel_loop3A_63, %parallel_loop3A_196 : vector<16xf32>
      %parallel_loop3A_203 = arith.constant 128 : i32
      %parallel_loop3A_204 = arith.addi %parallel_loop3A_23, %parallel_loop3A_203 : i32
      %parallel_loop3A_205 = arith.index_cast %parallel_loop3A_204 : i32 to index
      %parallel_loop3A_206 = tpu.vector_load %arg7[%parallel_loop3A_205] {strides = array<i32>} : memref<8192xf32, #tpu.memory_space<vmem>>, vector<16xf32>,
      tpu.vector_store %arg7[%parallel_loop3A_205], %parallel_loop3A_202 {strides = array<i32>} : memref<8192xf32, #tpu.memory_space<vmem>>, vector<16xf32>,
      %parallel_loop3A_207 = arith.mulf %parallel_loop3A_84, %parallel_loop3A_196 : vector<16xf32>
      %parallel_loop3A_208 = arith.constant 256 : i32
      %parallel_loop3A_209 = arith.addi %parallel_loop3A_23, %parallel_loop3A_208 : i32
      %parallel_loop3A_210 = arith.index_cast %parallel_loop3A_209 : i32 to index
      %parallel_loop3A_211 = tpu.vector_load %arg7[%parallel_loop3A_210] {strides = array<i32>} : memref<8192xf32, #tpu.memory_space<vmem>>, vector<16xf32>,
      tpu.vector_store %arg7[%parallel_loop3A_210], %parallel_loop3A_207 {strides = array<i32>} : memref<8192xf32, #tpu.memory_space<vmem>>, vector<16xf32>,
      %parallel_loop3A_212 = arith.mulf %parallel_loop3A_105, %parallel_loop3A_196 : vector<16xf32>
      %parallel_loop3A_213 = arith.constant 384 : i32
      %parallel_loop3A_214 = arith.addi %parallel_loop3A_23, %parallel_loop3A_213 : i32
      %parallel_loop3A_215 = arith.index_cast %parallel_loop3A_214 : i32 to index
      %parallel_loop3A_216 = tpu.vector_load %arg7[%parallel_loop3A_215] {strides = array<i32>} : memref<8192xf32, #tpu.memory_space<vmem>>, vector<16xf32>,
      tpu.vector_store %arg7[%parallel_loop3A_215], %parallel_loop3A_212 {strides = array<i32>} : memref<8192xf32, #tpu.memory_space<vmem>>, vector<16xf32>,
      %parallel_loop3A_217 = arith.mulf %parallel_loop3A_126, %parallel_loop3A_196 : vector<16xf32>
      %parallel_loop3A_218 = arith.constant 512 : i32
      %parallel_loop3A_219 = arith.addi %parallel_loop3A_23, %parallel_loop3A_218 : i32
      %parallel_loop3A_220 = arith.index_cast %parallel_loop3A_219 : i32 to index
      %parallel_loop3A_221 = tpu.vector_load %arg7[%parallel_loop3A_220] {strides = array<i32>} : memref<8192xf32, #tpu.memory_space<vmem>>, vector<16xf32>,
      tpu.vector_store %arg7[%parallel_loop3A_220], %parallel_loop3A_217 {strides = array<i32>} : memref<8192xf32, #tpu.memory_space<vmem>>, vector<16xf32>,
      %parallel_loop3A_222 = arith.mulf %parallel_loop3A_147, %parallel_loop3A_196 : vector<16xf32>
      %parallel_loop3A_223 = arith.constant 640 : i32
      %parallel_loop3A_224 = arith.addi %parallel_loop3A_23, %parallel_loop3A_223 : i32
      %parallel_loop3A_225 = arith.index_cast %parallel_loop3A_224 : i32 to index
      %parallel_loop3A_226 = tpu.vector_load %arg7[%parallel_loop3A_225] {strides = array<i32>} : memref<8192xf32, #tpu.memory_space<vmem>>, vector<16xf32>,
      tpu.vector_store %arg7[%parallel_loop3A_225], %parallel_loop3A_222 {strides = array<i32>} : memref<8192xf32, #tpu.memory_space<vmem>>, vector<16xf32>,
      %parallel_loop3A_227 = arith.mulf %parallel_loop3A_168, %parallel_loop3A_196 : vector<16xf32>
      %parallel_loop3A_228 = arith.constant 768 : i32
      %parallel_loop3A_229 = arith.addi %parallel_loop3A_23, %parallel_loop3A_228 : i32
      %parallel_loop3A_230 = arith.index_cast %parallel_loop3A_229 : i32 to index
      %parallel_loop3A_231 = tpu.vector_load %arg7[%parallel_loop3A_230] {strides = array<i32>} : memref<8192xf32, #tpu.memory_space<vmem>>, vector<16xf32>,
      tpu.vector_store %arg7[%parallel_loop3A_230], %parallel_loop3A_227 {strides = array<i32>} : memref<8192xf32, #tpu.memory_space<vmem>>, vector<16xf32>,
      %parallel_loop3A_232 = arith.mulf %parallel_loop3A_189, %parallel_loop3A_196 : vector<16xf32>
      %parallel_loop3A_233 = arith.constant 896 : i32
      %parallel_loop3A_234 = arith.addi %parallel_loop3A_23, %parallel_loop3A_233 : i32
      %parallel_loop3A_235 = arith.index_cast %parallel_loop3A_234 : i32 to index
      %parallel_loop3A_236 = tpu.vector_load %arg7[%parallel_loop3A_235] {strides = array<i32>} : memref<8192xf32, #tpu.memory_space<vmem>>, vector<16xf32>,
      tpu.vector_store %arg7[%parallel_loop3A_235], %parallel_loop3A_232 {strides = array<i32>} : memref<8192xf32, #tpu.memory_space<vmem>>, vector<16xf32>,
    } {sc.loop_unroll_factor = 8 : i64, sc.parallel_access}
    "tpu.region"() ({
      %run_scoped3A = tpu.sem_alloc : memref<!tpu.dma_semaphore, #tpu.memory_space<semaphore_mem>>
      %dma_start3A_14 = tpu.memref_slice %arg4[%mul3A_2] : memref<262144xf32, #tpu.memory_space<hbm>> -> memref<8192xf32, #tpu.memory_space<hbm>>
      %dma_start3A_15 = tpu.memref_slice %arg4[%mul3A_2] : memref<262144xf32, #tpu.memory_space<hbm>> -> memref<8192xf32, #tpu.memory_space<hbm>>
      tpu.enqueue_dma source(%arg7 : memref<8192xf32, #tpu.memory_space<vmem>>) target(%dma_start3A_15 : memref<8192xf32, #tpu.memory_space<hbm>>) target_semaphore(%run_scoped3A : memref<!tpu.dma_semaphore, #tpu.memory_space<semaphore_mem>>)
      %dma_wait3A_16 = tpu.memref_slice %arg4[%mul3A_2] : memref<262144xf32, #tpu.memory_space<hbm>> -> memref<8192xf32, #tpu.memory_space<hbm>>
      %dma_wait3A_17 = tpu.memref_slice %arg4[%mul3A_2] : memref<262144xf32, #tpu.memory_space<hbm>> -> memref<8192xf32, #tpu.memory_space<hbm>>
      tpu.wait_dma2 semaphore(%run_scoped3A : memref<!tpu.dma_semaphore, #tpu.memory_space<semaphore_mem>>) src(%arg7 : memref<8192xf32, #tpu.memory_space<vmem>>) dst(%dma_wait3A_17 : memref<8192xf32, #tpu.memory_space<hbm>>)
      tpu.yield
    }) : () -> ()
    return
  }
}

</mosaic_0001>

<sc_bundles>
// kernel: expert_dropout_sc.3.cloned.1.call-start
scs
__scs_entry_jumppad:
0x0: {  	(pc) =	sbr.rel $0x88, $3  }
0x1: {  	(tag) =	ssettag $0x0;
	lr =	simm.s32 $0x1  }
0x2: {  	[smem:$0x3F9F] =	sst lr;
	_ =	strace $0xD0000000  }
0x3: {  	_ = 	snop  }
0x4: {  	_ = 	snop  }
0x5: {  	_ = 	snop  }
0x6: {  	_ = 	snop  }
0x7: {  	_ = 	snop  }
__scs_overlays_trampoline_lowered:
0x8: {  	[smem:$0x3FAE] =	sst s0  }
0x9: {  	[smem:$0x3FAF] =	sst s1  }
0xa: {  	[smem:$0x3FB0] =	sst s2  }
0xb: {  	[smem:$0x3FB1] =	sst s3  }
0xc: {  	[smem:$0x3FB2] =	sst s4  }
0xd: {  	[smem:$0x3FB3] =	sst s5  }
0xe: {  	[smem:$0x3FB4] =	sst s6  }
0xf: {  	[smem:$0x3FB5] =	sst s7  }
0x10: {  	[smem:$0x3FB6] =	sst s8  }
0x11: {  	[smem:$0x3FB7] =	sst s9;
	s0 =	simm.s32 @!p0 $0x0  }
0x12: {  	s1 =	sld [smem:$0x3F9D];
	s0 =	simm.s32 @p0 $0x1  }
0x13: {  	[smem:$0x3FB8] =	sst s0;
	s0 =	simm.s32 @!p1 $0x0  }
0x14: {  	s2 =	sld [smem:$0x3F9C];
	s0 =	simm.s32 @p1 $0x1  }
0x15: {  	[smem:$0x3FB9] =	sst s0;
	s0 =	simm.s32 @!p2 $0x0  }
0x16: {  	s3 =	sld [smem:$0x3FDB];
	s0 =	simm.s32 @p2 $0x1  }
0x17: {  	s4 =	simm.s32 $0x1BF5;
	[smem:$0x3FBB] =	sst s0  }
0x18: {  	s0 =	sld [smem:$0x3F9E];
	_ =	swait.ge [sflag:s4], $0x0  }
0x19: {  	s7 =	sld [smem:$0x3F9F]  }
0x1a: {  	s8 =	sadd.s32 $0xFFFFE003, lr  }
0x1b: {  	s9 =	sadd.s32 $0xFFFFFEF7, lr;
	s5 =	simm.s32 $0xFFFFFFFF;
	p2 =	slt.u32 s8, $0xFFFFF086  }
0x1c: {  	p1 =	slt.u32 s9, $0xF7A;
	s5 =	simm.s32 @!p2 $0x0  }
0x1d: {  	s5 =	simm.s32 @p1 $0x1;
	p0 =	seq.s32 s7, s2  }
0x1e: {  	s7 =	smul.u32 @!p0 $0xF7A, s2;
	p2 =	seq.s32 @!p0 s5, $0x0  }
0x1f: {  	s9 =	smul.u32 $0xF7A, s1;
	s8 =	simm.s32 @!p0 $0x1BF5;
	p2 =	por !p2, p0  }
0x20: {  	[sflag:s8] =	ssyncset.s32 @!p0 $0xFFFFF086;
	s6 =	sadd.s32 @!p0 s3, s7;
	s7 =	simm.s32 @!p0 $0x108  }
0x21: {  	s3 =	sadd.s32 s3, s9;
	s6 =	sadd.s32 @!p0 $0x88, s6;
	s7 =	simm.s32 @p2 $0x1082  }
0x22: {  	[simem:s7], [sflag:s8] =	dma.local @!p0 [hbm:s6], $0xF7A  }
0x23: {  	s9 =	sor.u32 $0xD0000000, s2;
	s6 =	simm.s32 $0x108;
	_ =	swait.ge @!p0 [sflag:s8], $0x0  }
0x24: {  	s3 =	sadd.s32 $0x88, s3;
	s6 =	simm.s32 @!p1 $0x1082;
	[sflag:s4] =	ssyncset.s32 $0xFFFFF086  }
0x25: {  	[simem:s6], [sflag:s4] =	dma.local [hbm:s3], $0xF7A  }
0x26: {  	[smem:$0x3F9F] =	sst s1;
	(tag) =	ssettag s2;
	_ =	strace s9  }
0x27: {  	s1 =	sld [smem:$0x3FAF]  }
0x28: {  	s2 =	sld [smem:$0x3FB0]  }
0x29: {  	s4 =	sld [smem:$0x3FB2]  }
0x2a: {  	p0 =	seq.s32 s5, $0x0;
	s5 =	sld [smem:$0x3FB3]  }
0x2b: {  	s6 =	sld [smem:$0x3FB4]  }
0x2c: {  	s7 =	sld [smem:$0x3FB5]  }
0x2d: {  	s3 =	simm.s32 $0x108;
	s8 =	sld [smem:$0x3FB6]  }
0x2e: {  	s3 =	simm.s32 @!p0 $0x1082;
	s9 =	sld [smem:$0x3FB7]  }
0x2f: {  	lr =	sadd.s32 s0, s3;
	s0 =	sld [smem:$0x3FAE]  }
0x30: {  	s3 =	sld [smem:$0x3FB1]  }
0x31: {  	[smem:$0x3FBA] =	sst s10  }
0x32: {  	s10 =	sld [smem:$0x3FB8];
	_ =	sdelay $0x3  }
0x33: {  	p0 =	seq.s32 s10, $0x1;
	s10 =	sld [smem:$0x3FBA];
	_ =	sdelay $0x3  }
0x34: {  	[smem:$0x3FBA] =	sst s10  }
0x35: {  	s10 =	sld [smem:$0x3FB9];
	_ =	sdelay $0x3  }
0x36: {  	p1 =	seq.s32 s10, $0x1;
	s10 =	sld [smem:$0x3FBA];
	_ =	sdelay $0x3  }
0x37: {  	[smem:$0x3FBA] =	sst s10  }
0x38: {  	s10 =	sld [smem:$0x3FBB]  }
0x39: {  	_ = 	snop;
	(pc) =	sbr.ind lr, $3  }
0x3a: {  	_ = 	snop  }
0x3b: {  	_ = 	snop  }
0x3c: {  	p2 =	seq.s32 s10, $0x1;
	s10 =	sld [smem:$0x3FBA]  }
0x3d: {  	_ =	shalt  }
0x3e: {  	_ =	shalt  }
0x3f: {  	_ =	shalt  }
0x40: {  	_ =	shalt  }
0x41: {  	_ =	shalt  }
0x42: {  	_ =	shalt  }
0x43: {  	_ =	shalt  }
0x44: {  	_ =	shalt  }
0x45: {  	_ =	shalt  }
0x46: {  	_ =	shalt  }
0x47: {  	_ =	shalt  }
0x48: {  	_ =	shalt  }
0x49: {  	_ =	shalt  }
0x4a: {  	_ =	shalt  }
0x4b: {  	_ =	shalt  }
0x4c: {  	_ =	shalt  }
0x4d: {  	_ =	shalt  }
0x4e: {  	_ =	shalt  }
0x4f: {  	_ =	shalt  }
0x50: {  	_ =	shalt  }
0x51: {  	_ =	shalt  }
0x52: {  	_ =	shalt  }
0x53: {  	_ =	shalt  }
0x54: {  	_ =	shalt  }
0x55: {  	_ =	shalt  }
0x56: {  	_ =	shalt  }
0x57: {  	_ =	shalt  }
0x58: {  	_ =	shalt  }
0x59: {  	_ =	shalt  }
0x5a: {  	_ =	shalt  }
0x5b: {  	_ =	shalt  }
0x5c: {  	_ =	shalt  }
0x5d: {  	_ =	shalt  }
0x5e: {  	_ =	shalt  }
0x5f: {  	_ =	shalt  }
0x60: {  	_ =	shalt  }
0x61: {  	_ =	shalt  }
0x62: {  	_ =	shalt  }
0x63: {  	_ =	shalt  }
0x64: {  	_ =	shalt  }
0x65: {  	_ =	shalt  }
0x66: {  	_ =	shalt  }
0x67: {  	_ =	shalt  }
0x68: {  	_ =	shalt  }
0x69: {  	_ =	shalt  }
0x6a: {  	_ =	shalt  }
0x6b: {  	_ =	shalt  }
0x6c: {  	_ =	shalt  }
0x6d: {  	_ =	shalt  }
0x6e: {  	_ =	shalt  }
0x6f: {  	_ =	shalt  }
0x70: {  	_ =	shalt  }
0x71: {  	_ =	shalt  }
0x72: {  	_ =	shalt  }
0x73: {  	_ =	shalt  }
0x74: {  	_ =	shalt  }
0x75: {  	_ =	shalt  }
0x76: {  	_ =	shalt  }
0x77: {  	_ =	shalt  }
0x78: {  	_ =	shalt  }
0x79: {  	_ =	shalt  }
0x7a: {  	_ =	shalt  }
0x7b: {  	_ =	shalt  }
0x7c: {  	_ =	shalt  }
0x7d: {  	_ =	shalt  }
0x7e: {  	_ =	shalt  }
0x7f: {  	_ =	shalt  }
0x80: {  	_ =	shalt  }
0x81: {  	_ =	shalt  }
0x82: {  	_ =	shalt  }
0x83: {  	_ =	shalt  }
0x84: {  	_ =	shalt  }
0x85: {  	_ =	shalt  }
0x86: {  	_ =	shalt  }
0x87: {  	_ =	shalt  }
.Lfunc_end0:
.L_simem_size_0:
called_computation_lowered:
.L_overlay_start_0:
0x88: {  	s2 =	sld [smem:$0x3FD9]  }
0x89: {  	s3 =	sld [smem:$0x3FFE];
	_ =	sdelay $0x1  }
0x8a: {  	s1 =	srdreg.scid  }
0x8b: {  	s0 =	sand.u32 $0x1, s1  }
0x8c: {  	s15 =	sshll.u32 s0, $0xA;
	s2 =	sadd.s32 s3, s2  }
0x8d: {  	s2 =	sadd.s32 s2, s15  }
0x8e: {  	[smem:$0x3FC6] =	sst s2  }
0x8f: {  	_ = 	snop  }
0x90: {  	s2 =	sld [smem:$0x3FD0];
	_ =	sdelay $0x1  }
0x91: {  	s16 =	sld [smem:$0x3FC9]  }
0x92: {  	s5 =	simm.s32 $0xA;
	s6 =	simm.s32 $0x10;
	s4 =	sld [smem:$0x3FC8]  }
0x93: {  	[smem:s6], [sflag:s5] =	dma.local [hbm:s2], $0x1  }
0x94: {  	_ =	swait.eq [sflag:s5], $0x1  }
0x95: {  	[sflag:s5] =	ssyncset.done $0x0  }
0x96: {  	[sflag:s5] =	ssyncadd.s32 $0xFFFFFFFF  }
0x97: {  	s17 =	sld [smem:$0x10];
	(tm) =	ssettm $0x1  }
0x98: {  	s18 =	sld [smem:$0x3FFB];
	_ =	sdelay $0x3  }
0x99: {  	_ =	strace s18  }
0x9a: {  	s5 =	sld [smem:$0x3FFC];
	_ =	sdelay $0x3  }
0x9b: {  	_ =	strace s5  }
0x9c: {  	s5 =	sld [smem:$0x3FFD];
	_ =	sdelay $0x3  }
0x9d: {  	_ =	strace s5  }
0x9e: {  	_ =	strace $0x8FFFFFFF  }
0x9f: {  	s19 =	sld [smem:$0x3FDB];
	_ =	sdelay $0x1  }
0xa0: {  	s20 =	simm.s32 $_scs_section_size  }
0xa1: {  	s7 =	simm.s32 $_size__tile_overlayer_lowered;
	s8 =	simm.s32 $_tile_overlayer_lowered  }
0xa2: {  	s23 =	simm.s32 $0x1BFF;
	s22 =	sshll.u32 s8, $0x1;
	s5 =	sadd.s32 s20, s19  }
0xa3: {  	s9 =	simm.s32 $0x0;
	s21 =	sshll.u32 s7, $0x1;
	s7 =	sadd.s32 s22, s5  }
0xa4: {  	[timem:s9], [sflag:s23] =	dma.local [hbm:s7], s21  }
0xa5: {  	_ =	swait.ge [sflag:s23], s21  }
0xa6: {  	s6 =	ssub.s32 $0x0, s21;
	[sflag:s23] =	ssyncset.done $0x0  }
0xa7: {  	[sflag:s23] =	ssyncadd.s32 s6;
	_ =	sdelay $0x1  }
0xa8: {  	s24 =	simm.s32 $0x1B8B  }
0xa9: {  	_ =	swait.ge [sflag:s24], $0x1  }
0xaa: {  	[sflag:s24] =	ssyncset.done $0x0  }
0xab: {  	s25 =	simm.s32 $0x1B8E;
	[sflag:s24] =	ssyncadd.s32 $0xFFFFFFFF  }
0xac: {  	s26 =	simm.s32 $execute0_lowered;
	[smem:$0x3FD2] =	sst s25  }
0xad: {  	s6 =	sshll.u32 s26, $0x1;
	_ =	strace $0x80000046;
	[dreg:$0x1] =	wrdreg $0xFFFFFFFF  }
0xae: {  	s28 =	simm.s32 $_size_execute0_lowered;
	s5 =	sadd.s32 s5, s6;
	[dreg:$0x0] =	wrdreg $0x0  }
0xaf: {  	s6 =	sshll.u32 s28, $0x1;
	[dreg:$0x2] =	wrdreg s5  }
0xb0: {  	[dreg:$0x3] =	wrdreg s6  }
0xb1: {  	[dreg:$0x4] =	wrdreg $0xC0  }
0xb2: {  	_ =	task [dreg:s9], $0x5FFFF  }
0xb3: {  	[dreg:$0x1] =	wrdreg $0xFFFFFFFF  }
0xb4: {  	[dreg:$0x0] =	wrdreg $0x60  }
0xb5: {  	[dreg:$0x2] =	wrdreg s16  }
0xb6: {  	[dreg:$0x3] =	wrdreg s4  }
0xb7: {  	[dreg:$0x4] =	wrdreg s17  }
0xb8: {  	[dreg:$0x5] =	wrdreg $0x9  }
0xb9: {  	_ =	task.clear_ibuf [dreg:s9], $0x6FFFF;
	_ =	strace $0x90000046  }
0xba: {  	s29 =	simm.s32 $0x9;
	_ =	strace $0x80000048  }
0xbb: {  	_ =	swait.ge [sflag:s29], $0x1  }
0xbc: {  	[sflag:s29] =	ssyncadd.s32 $0xFFFFFFFF  }
0xbd: {  	_ =	strace $0x90000048  }
0xbe: {  	_ =	sfence  }
0xbf: {  	s30 =	sld [smem:$0x0];
	_ =	sdelay $0x2  }
0xc0: {  	s31 =	sshll.u32 s1, $0xD;
	s1 =	sshrl.u32 s1, $0x2  }
0xc1: {  	s3 =	sand.u32 $0x4000, s31;
	s1 =	sadd.s32 s1, s30  }
0xc2: {  	s0 =	sor.u32 s3, s0;
	s1 =	sshll.u32 s1, $0x11  }
0xc3: {  	s0 =	sor.u32 s1, s0  }
0xc4: {  	s0 =	sadd.s32 $0x8F2B, s0  }
0xc5: {  	[sflag:s0] =	ssyncadd.remote.s32 $0x1  }
0xc6: {  	_ =	sfence.sel $0xFFFF  }
0xc7: {  	[dreg:$0x0] =	wrdreg $0xFFFFFFFF;
	(pc) =	sbr.abs _section_cstart, $3  }
0xc8: {  	[dreg:$0x1] =	wrdreg $0xFFFFFFFF  }
0xc9: {  	_ =	task.clear_ibuf [dreg:s9], $0x2FFFF;
	_ =	strace $0x9FFFFFFF  }
0xca: {  	(tm) =	ssettm $0x7FFFFFFF  }
0xcb: {  	_ =	shalt  }
tec
execute0_lowered:
.L_overlay_start_1:
0x0: {  	(tag) =	ssettag $0x1  }
0x1: {  	s3 =	rddreg [dreg:$0x0]  }
0x2: {  	s4 =	rddreg [dreg:$0x1]  }
0x3: {  	s5 =	rddreg [dreg:$0x2]  }
0x4: {  	s0 =	rddreg [dreg:$0x3];
	s6 =	srdreg.scid  }
0x5: {  	s2 =	simm.s32 $0x0;
	s1 =	stileid.u32;
	s10 =	simm.s32 $0x4000  }
0x6: {  	s11 =	simm.s32 $0x3;
	s12 =	simm.s32 $0x0;
	s6 =	sand.u32 $0x1, s6  }
0x7: {  	s8 =	sshll.u32 s1, $0xB;
	[smem:$0x7FF] =	sst s2;
	s7 =	ssub.s32 $0x2, s6  }
0x8: {  	s6 =	sshll.u32 s6, $0xA;
	_ =	strace $0x80000047;
	s9 =	sshrl.u32 s7, $0x1  }
0x9: {  	s6 =	sor.u32 s6, s8;
	s8 =	simm.s32 $0x1;
	s7 =	ssub.s32 s7, s9  }
0xa: {  	s3 =	sadd.s32 s3, s6;
	s4 =	sadd.s32 s4, s6;
	s5 =	sadd.s32 s5, s6  }
0xb: {  	v0 =	vimm.s32 $0xFDEFFFAF;
	s9 =	simm.s32 $0x2;
	s6 =	smax.u32 s7, $0x1;
	s7 =	simm.s32 $0x2000  }
.LBB2_1:
0xc: {  	[tilespmem:s2], [sflag:$0x1] =	stream.linear.gather [hbm4b:s3+s2], $0x2000, $0x38;
	[tilespmem:$0x6000] =	vst v63  }
0xd: {  	_ = 	snop  }
0xe: {  	[tilespmem:s7], [sflag:$0x2] =	stream.linear.gather [hbm4b:s4+s2], $0x2000, $0x38;
	[tilespmem:$0x6000] =	vst v63  }
0xf: {  	_ =	swait.ge [sflag:s8], $0x2000  }
0x10: {  	[sflag:s8] =	ssyncset.done $0x0  }
0x11: {  	[sflag:s8] =	ssyncadd.s32 $0xFFFFE000  }
0x12: {  	_ =	swait.ge [sflag:s9], $0x2000  }
0x13: {  	[sflag:s9] =	ssyncset.done $0x0  }
0x14: {  	s14 =	simm.s32 $0x2200;
	[sflag:s9] =	ssyncadd.s32 $0xFFFFE000  }
0x15: {  	v1 =	vld [tilespmem:s14+$0x1F0]  }
0x16: {  	v4 =	vld [tilespmem:s14+$0x170]  }
0x17: {  	v2 =	vld [tilespmem:s14+$0xF0]  }
0x18: {  	v3 =	vld [tilespmem:s14+$0x70]  }
0x19: {  	v5 =	vld [tilespmem:s14+$0xFFFFFFF0]  }
0x1a: {  	v6 =	vld [tilespmem:s14+$0xFFFFFF70]  }
0x1b: {  	v7 =	vld [tilespmem:s14+$0xFFFFFE70]  }
0x1c: {  	v8 =	vld [tilespmem:s14+$0xFFFFFEF0]  }
0x1d: {  	v9 =	vld [tilespmem:s14+$0xFFFFFE80]  }
0x1e: {  	v54 =	vimm.s32 $0xFDEFFFAF;
	v12 =	vld [tilespmem:s14+$0xFFFFFE10];
	v10 =	vand.u32 $0x1F, v4  }
0x1f: {  	v24 =	vld [tilespmem:s14+$0xFFFFFEB0];
	v11 =	vand.u32 $0x1F, v1;
	v14 =	vand.u32 $0x1F, v2;
	vm0 =	vlt.s32 v2, $0x20  }
0x20: {  	v16 =	vand.u32 $0x1F, v5;
	v17 =	vand.u32 $0x1F, v3;
	vm1 =	vlt.s32 v3, $0x20  }
0x21: {  	v2 =	vand.u32 $0x1F, v6;
	vm2 =	vlt.s32 v6, $0x20;
	vm3 =	vlt.s32 v5, $0x20  }
0x22: {  	v18 =	vld [tilespmem:s14+$0xFFFFFE20];
	v3 =	vand.u32 $0x1F, v7;
	vm4 =	vlt.s32 v7, $0x20;
	vm5 =	vlt.s32 v8, $0x20  }
0x23: {  	v19 =	vld [tilespmem:s14+$0xFFFFFEA0];
	v7 =	vand.u32 $0x1F, v8;
	vm12 =	vlt.s32 v4, $0x20;
	vm13 =	vlt.s32 v1, $0x20  }
0x24: {  	vm14 =	vlt.s32 v9, $0x20;
	vm15 =	vlt.s32 v12, $0x20;
	vm6 =	vlt.s32 v24, $0x20  }
0x25: {  	v15 =	vld [tilespmem:s14+$0xFFFFFE90];
	v9 =	vand.u32 $0x1F, v9;
	v12 =	vand.u32 $0x1F, v12;
	v24 =	vand.u32 $0x1F, v24  }
0x26: {  	v20 =	vld [tilespmem:s14+$0xFFFFFE30];
	v6 =	vsel vm4, $0x77EFDFFF, v0;
	v8 =	vsel vm5, $0x77EFDFFF, v0;
	v21 =	vsel vm3, $0x77EFDFFF, v54  }
0x27: {  	v23 =	vsel vm1, $0x77EFDFFF, v54;
	v1 =	vsel vm12, $0x77EFDFFF, v54;
	vm3 =	vlt.s32 v18, $0x20  }
0x28: {  	vm12 =	vlt.s32 v19, $0x20;
	v31 =	vsel vm6, $0x77EFDFFF, v54;
	v18 =	vand.u32 $0x1F, v18  }
0x29: {  	s13 =	simm.s32 $0x200;
	v19 =	vand.u32 $0x1F, v19;
	v3 =	vshrl.u32 v6, v3;
	v6 =	vshrl.u32 v8, v7  }
0x2a: {  	v5 =	vld [tilespmem:s13+$0xFFFFFE70];
	v7 =	vsel vm2, $0x77EFDFFF, v54;
	v1 =	vshrl.u32 v1, v10;
	v10 =	vsel vm13, $0x77EFDFFF, v54  }
0x2b: {  	v13 =	vld [tilespmem:s13+$0xFFFFFEF0];
	vm2 =	vlt.s32 v15, $0x20;
	vm13 =	vlt.s32 v20, $0x20;
	v28 =	vsel vm3, $0x77EFDFFF, v54  }
0x2c: {  	v29 =	vsel vm12, $0x77EFDFFF, v54;
	v15 =	vand.u32 $0x1F, v15;
	v3 =	vand.u32 $0x1, v3  }
0x2d: {  	v6 =	vand.u32 $0x1, v6;
	v2 =	vshrl.u32 v7, v2;
	v3 =	vcvt.s32.f32 v3  }
0x2e: {  	v20 =	vand.u32 $0x1F, v20;
	v7 =	vld [tilespmem:s13+$0xFFFFFF70];
	v6 =	vcvt.s32.f32 v6;
	v2 =	vand.u32 $0x1, v2  }
0x2f: {  	v24 =	vshrl.u32 v31, v24;
	v8 =	vcvt.s32.f32 v2;
	v2 =	vmul.f32 v3, v5  }
0x30: {  	v1 =	vand.u32 $0x1, v1;
	v26 =	vsel vm2, $0x77EFDFFF, v54;
	v0 =	vmul.f32 v6, v13  }
0x31: {  	v22 =	vld [tilespmem:s13+$0xFFFFFFF0];
	v30 =	vsel vm13, $0x77EFDFFF, v54;
	v19 =	vshrl.u32 v29, v19;
	v24 =	vand.u32 $0x1, v24;
	[tilespmem:$0x1FF90] =	vst v2  }
0x32: {  	v1 =	vcvt.s32.f32 v1;
	v3 =	vshrl.u32 v21, v16;
	v6 =	vshrl.u32 v23, v17;
	[tilespmem:$0x1FFA0] =	vst v0  }
0x33: {  	v5 =	vand.u32 $0x1, v3;
	v23 =	vadd.f32 v0, v2;
	v0 =	vmul.f32 v8, v7;
	v16 =	vld [tilespmem:s13+$0x70]  }
0x34: {  	v15 =	vshrl.u32 v26, v15;
	v17 =	vsel vm0, $0x77EFDFFF, v54;
	v5 =	vcvt.s32.f32 v5  }
0x35: {  	v20 =	vshrl.u32 v30, v20;
	v6 =	vand.u32 $0x1, v6;
	v7 =	vshrl.u32 v17, v14;
	v21 =	vld [tilespmem:s14+$0xFFFFFE40];
	[tilespmem:$0x1FFB0] =	vst v0  }
0x36: {  	v17 =	vadd.f32 v0, v23;
	v0 =	vmul.f32 v5, v22;
	v5 =	vcvt.s32.f32 v6;
	v8 =	vld [tilespmem:s13+$0xF0]  }
0x37: {  	v19 =	vand.u32 $0x1, v19;
	v24 =	vcvt.s32.f32 v24;
	v15 =	vand.u32 $0x1, v15;
	v14 =	vld [tilespmem:s14+$0xFFFFFEC0]  }
0x38: {  	v6 =	vand.u32 $0x1, v7;
	[tilespmem:$0x1FFC0] =	vst v0;
	v17 =	vadd.f32 v0, v17;
	v0 =	vmul.f32 v5, v16  }
0x39: {  	v20 =	vand.u32 $0x1, v20;
	v19 =	vcvt.s32.f32 v19;
	v6 =	vcvt.s32.f32 v6;
	v7 =	vld [tilespmem:s13+$0x170]  }
0x3a: {  	v15 =	vcvt.s32.f32 v15;
	v20 =	vcvt.s32.f32 v20;
	v22 =	vld [tilespmem:s14+$0xFFFFFE50];
	vm7 =	vlt.s32 v21, $0x20;
	[tilespmem:$0x1FFD0] =	vst v0  }
0x3b: {  	v21 =	vand.u32 $0x1F, v21;
	v17 =	vadd.f32 v0, v17;
	v0 =	vmul.f32 v6, v8;
	v16 =	vld [tilespmem:s13+$0x1F0]  }
0x3c: {  	v8 =	vshrl.u32 v10, v11;
	vm8 =	vlt.s32 v14, $0x20;
	v14 =	vand.u32 $0x1F, v14;
	v23 =	vld [tilespmem:s14+$0xFFFFFED0]  }
0x3d: {  	v8 =	vand.u32 $0x1, v8;
	v32 =	vsel vm8, $0x77EFDFFF, v54;
	[tilespmem:$0x1FFE0] =	vst v0;
	v17 =	vadd.f32 v0, v17  }
0x3e: {  	v0 =	vmul.f32 v1, v7;
	v1 =	vcvt.s32.f32 v8;
	v14 =	vshrl.u32 v32, v14;
	v10 =	vld [tilespmem:s14+$0xFFFFFE60]  }
0x3f: {  	vm9 =	vlt.s32 v22, $0x20;
	v22 =	vand.u32 $0x1F, v22;
	v11 =	vld [tilespmem:s14+$0xFFFFFEE0];
	v14 =	vand.u32 $0x1, v14  }
0x40: {  	v33 =	vsel vm9, $0x77EFDFFF, v54;
	v17 =	vadd.f32 v0, v17;
	v14 =	vcvt.s32.f32 v14  }
0x41: {  	[tilespmem:$0x1FFF0] =	vst v0;
	v0 =	vmul.f32 v1, v16;
	vm10 =	vlt.s32 v23, $0x20;
	v16 =	vsel vm14, $0x77EFDFFF, v54  }
0x42: {  	v25 =	vld [tilespmem:s14+$0xFFFFFE00];
	v23 =	vand.u32 $0x1F, v23;
	v34 =	vsel vm10, $0x77EFDFFF, v54;
	v9 =	vshrl.u32 v16, v9  }
0x43: {  	vm11 =	vlt.s32 v10, $0x20;
	v1 =	vadd.f32 v0, v17;
	v17 =	vsel vm15, $0x77EFDFFF, v54  }
0x44: {  	[tilespmem:$0x1FF80] =	vst v0;
	vm14 =	vlt.s32 v11, $0x20;
	v10 =	vand.u32 $0x1F, v10;
	v11 =	vand.u32 $0x1F, v11  }
0x45: {  	v9 =	vand.u32 $0x1, v9;
	v35 =	vsel vm11, $0x77EFDFFF, v54;
	v36 =	vsel vm14, $0x77EFDFFF, v54;
	v37 =	vld [tilespmem:s14+$0xFFFFFF00]  }
0x46: {  	v38 =	vld [tilespmem:s14+$0xFFFFFF10];
	v12 =	vshrl.u32 v17, v12;
	v17 =	vshrl.u32 v28, v18;
	v9 =	vcvt.s32.f32 v9  }
0x47: {  	v39 =	vld [tilespmem:s14+$0xFFFFFF20];
	vm15 =	vlt.s32 v25, $0x20;
	v1 =	vadd.f32 $1.000000010e-10, v1;
	v25 =	vand.u32 $0x1F, v25  }
0x48: {  	v40 =	vld [tilespmem:s14+$0xFFFFFF30];
	v10 =	vshrl.u32 v35, v10;
	v11 =	vshrl.u32 v36, v11;
	v12 =	vand.u32 $0x1, v12  }
0x49: {  	v16 =	vld [tilespmem:s14+$0xFFFFFF50];
	v17 =	vand.u32 $0x1, v17;
	v27 =	vsel vm15, $0x77EFDFFF, v54;
	v10 =	vand.u32 $0x1, v10  }
0x4a: {  	v18 =	vld [tilespmem:s14+$0xFFFFFF60];
	v11 =	vand.u32 $0x1, v11;
	v12 =	vcvt.s32.f32 v12;
	v17 =	vcvt.s32.f32 v17  }
0x4b: {  	(erf) = vrcp.f32 v1;
	v1 =	vsel vm7, $0x77EFDFFF, v54;
	v25 =	vshrl.u32 v27, v25  }
0x4c: {  	v42 =	vcvt.s32.f32 v10;
	v43 =	vcvt.s32.f32 v11;
	v1 =	vshrl.u32 v1, v21  }
0x4d: {  	v21 =	vshrl.u32 v33, v22;
	v22 =	vshrl.u32 v34, v23;
	v23 =	vand.u32 $0x1, v25  }
0x4e: {  	v61 =	vld [tilespmem:s13+$0xFFFFFE80];
	vm10 =	vlt.s32 v37, $0x20;
	vm11 =	vlt.s32 v38, $0x20;
	vm12 =	vlt.s32 v39, $0x20  }
0x4f: {  	v29 =	vld [tilespmem:s14+$0xFFFFFF80];
	vm13 =	vlt.s32 v40, $0x20;
	vm15 =	vlt.s32 v16, $0x20;
	vm9 =	vlt.s32 v18, $0x20  }
0x50: {  	v41 =	vld [tilespmem:s14+$0xFFFFFFC0];
	v1 =	vand.u32 $0x1, v1;
	v21 =	vand.u32 $0x1, v21;
	v22 =	vand.u32 $0x1, v22  }
0x51: {  	v35 =	vld [tilespmem:s14+$0xFFFFFFD0];
	v56 =	vand.u32 $0x1F, v37;
	v57 =	vand.u32 $0x1F, v38;
	v58 =	vand.u32 $0x1F, v39  }
0x52: {  	v36 =	vld [tilespmem:s14+$0xFFFFFFE0];
	v59 =	vand.u32 $0x1F, v40;
	v16 =	vand.u32 $0x1F, v16;
	v23 =	vcvt.s32.f32 v23  }
0x53: {  	v60 =	vld [tilespmem:s13+$0xFFFFFE00];
	v18 =	vand.u32 $0x1F, v18;
	v7 =	vmul.f32 v9, v61;
	v51 =	vsel vm10, $0x77EFDFFF, v54  }
0x54: {  	v44 =	vld [tilespmem:s13+$0xFFFFFE20];
	v52 =	vsel vm11, $0x77EFDFFF, v54;
	v28 =	vsel vm12, $0x77EFDFFF, v54;
	v30 =	vsel vm13, $0x77EFDFFF, v54  }
0x55: {  	v62 =	vld [tilespmem:s13+$0xFFFFFEA0];
	v53 =	vsel vm15, $0x77EFDFFF, v54;
	v55 =	vsel vm9, $0x77EFDFFF, v54;
	v1 =	vcvt.s32.f32 v1  }
0x56: {  	v49 =	vld [tilespmem:s13+$0xFFFFFEC0];
	v21 =	vcvt.s32.f32 v21;
	v22 =	vcvt.s32.f32 v22;
	vm10 =	vlt.s32 v29, $0x20  }
0x57: {  	v27 =	vld [tilespmem:s14+$0xFFFFFF40];
	vm15 =	vlt.s32 v35, $0x20;
	vm9 =	vlt.s32 v36, $0x20;
	v29 =	vand.u32 $0x1F, v29  }
0x58: {  	v46 =	vld [tilespmem:s13+$0xFFFFFE30];
	v36 =	vand.u32 $0x1F, v36;
	v25 =	vshrl.u32 v51, v56;
	v26 =	vshrl.u32 v52, v57  }
0x59: {  	v10 =	vld [tilespmem:s13+$0xFFFFFE10];
	v28 =	vshrl.u32 v28, v58;
	v30 =	vshrl.u32 v30, v59;
	v16 =	vshrl.u32 v53, v16  }
0x5a: {  	v11 =	vld [tilespmem:s13+$0xFFFFFE90];
	v18 =	vshrl.u32 v55, v18;
	v63 =	vsel vm10, $0x77EFDFFF, v54;
	v55 =	vsel vm15, $0x77EFDFFF, v54  }
0x5b: {  	v50 =	vld [tilespmem:s13+$0xFFFFFE40];
	v58 =	vsel vm9, $0x77EFDFFF, v54;
	v5 =	vmul.f32 v23, v60;
	v23 =	vand.u32 $0x1F, v35  }
0x5c: {  	v33 =	vld [tilespmem:s14+$0xFFFFFF90];
	v56 =	vmul.f32 v14, v49;
	vm14 =	vlt.s32 v27, $0x20;
	v27 =	vand.u32 $0x1F, v27  }
0x5d: {  	v48 =	vld [tilespmem:s13+$0xFFFFFEB0];
	v45 =	vand.u32 $0x1, v25;
	v26 =	vand.u32 $0x1, v26;
	v28 =	vand.u32 $0x1, v28  }
0x5e: {  	v37 =	vld [tilespmem:s14+$0xFFFFFFA0];
	v30 =	vand.u32 $0x1, v30;
	v47 =	vand.u32 $0x1, v16;
	v10 =	vmul.f32 v12, v10  }
0x5f: {  	v40 =	vld [tilespmem:s14+$0xFFFFFFB0];
	v18 =	vand.u32 $0x1, v18;
	v13 =	vmul.f32 v15, v11;
	v11 =	vmul.f32 v17, v44  }
0x60: {  	v9 =	vld [tilespmem:s13+$0xFFFFFEE0];
	v29 =	vshrl.u32 v63, v29;
	v12 =	vmul.f32 v19, v62;
	v61 =	vmul.f32 v1, v50  }
0x61: {  	v57 =	vld [tilespmem:s13+$0xFFFFFE50];
	v23 =	vshrl.u32 v55, v23;
	v36 =	vshrl.u32 v58, v36;
	vm11 =	vlt.s32 v33, $0x20  }
0x62: {  	v59 =	vld [tilespmem:s13+$0xFFFFFED0];
	v31 =	vsel vm14, $0x77EFDFFF, v54;
	v53 =	vand.u32 $0x1F, v33;
	v0 =	vsel vm11, $0x77EFDFFF, v54  }
0x63: {  	v35 =	vld [tilespmem:s13+$0xFFFFFE60];
	vm14 =	vlt.s32 v41, $0x20;
	v17 =	vshrl.u32 v0, v53;
	v0 =	vmul.f32 v20, v46  }
0x64: {  	v15 =	vld [tilespmem:s14+$0x10];
	v41 =	vand.u32 $0x1F, v41;
	v26 =	vcvt.s32.f32 v26;
	v28 =	vcvt.s32.f32 v28  }
0x65: {  	v30 =	vcvt.s32.f32 v30;
	v27 =	vshrl.u32 v31, v27;
	v31 =	vld [tilespmem:s14+$0x0];
	[tilespmem:$0x1FEC0] =	vst v0;
	v0 =	vmul.f32 v24, v48  }
0x66: {  	v18 =	vcvt.s32.f32 v18;
	v29 =	vand.u32 $0x1, v29;
	v23 =	vand.u32 $0x1, v23  }
0x67: {  	vm12 =	vlt.s32 v37, $0x20;
	vm13 =	vlt.s32 v40, $0x20;
	v34 =	vsel vm14, $0x77EFDFFF, v54;
	v19 =	vld [tilespmem:s14+$0x20];
	[tilespmem:$0x1FED0] =	vst v0  }
0x68: {  	v37 =	vand.u32 $0x1F, v37;
	v40 =	vand.u32 $0x1F, v40;
	v60 =	vmul.f32 v43, v9;
	v1 =	vld [tilespmem:s14+$0x30]  }
0x69: {  	v29 =	vcvt.s32.f32 v29;
	v23 =	vcvt.s32.f32 v23;
	v27 =	vand.u32 $0x1, v27;
	v14 =	vld [tilespmem:s14+$0x40]  }
0x6a: {  	v51 =	vsel vm12, $0x77EFDFFF, v54;
	v52 =	vsel vm13, $0x77EFDFFF, v54;
	v8 =	vmul.f32 v22, v59;
	v22 =	vld [tilespmem:s14+$0x50]  }
0x6b: {  	v20 =	vshrl.u32 v51, v37;
	v53 =	vshrl.u32 v52, v40;
	v62 =	vmul.f32 v21, v57;
	v9 =	vld [tilespmem:s14+$0x60]  }
0x6c: {  	v21 =	vshrl.u32 v34, v41;
	v63 =	vmul.f32 v42, v35;
	v35 =	vcvt.s32.f32 v45;
	v37 =	vld [tilespmem:s13+$0xFFFFFF00]  }
0x6d: {  	v27 =	vcvt.s32.f32 v27;
	v41 =	vcvt.s32.f32 v47;
	v17 =	vand.u32 $0x1, v17;
	v42 =	vld [tilespmem:s14+$0x80]  }
0x6e: {  	v47 =	vand.u32 $0x1, v36;
	vm11 =	vlt.s32 v15, $0x20;
	v20 =	vand.u32 $0x1, v20;
	v38 =	vld [tilespmem:s13+$0xFFFFFF10]  }
0x6f: {  	v24 =	vand.u32 $0x1, v53;
	v21 =	vand.u32 $0x1, v21;
	v15 =	vand.u32 $0x1F, v15;
	v39 =	vld [tilespmem:s13+$0xFFFFFF20]  }
0x70: {  	v17 =	vcvt.s32.f32 v17;
	v48 =	vsel vm11, $0x77EFDFFF, v54;
	v20 =	vcvt.s32.f32 v20;
	v44 =	vld [tilespmem:s13+$0xFFFFFF30]  }
0x71: {  	v24 =	vcvt.s32.f32 v24;
	v21 =	vcvt.s32.f32 v21;
	vm10 =	vlt.s32 v31, $0x20;
	v46 =	vld [tilespmem:s13+$0xFFFFFF40]  }
0x72: {  	v31 =	vand.u32 $0x1F, v31;
	v45 =	vsel vm10, $0x77EFDFFF, v54;
	v50 =	vld [tilespmem:s13+$0xFFFFFF50];
	vm12 =	vlt.s32 v19, $0x20  }
0x73: {  	v34 =	vld [tilespmem:s13+$0xFFFFFF60];
	v19 =	vand.u32 $0x1F, v19;
	v0 =	vsel vm12, $0x77EFDFFF, v54;
	vm13 =	vlt.s32 v1, $0x20  }
0x74: {  	v57 =	vld [tilespmem:s14+$0x90];
	vm14 =	vlt.s32 v14, $0x20;
	vm15 =	vlt.s32 v22, $0x20;
	v2 =	vmul.f32 v35, v37  }
0x75: {  	v58 =	vld [tilespmem:s14+$0xA0];
	vm9 =	vlt.s32 v9, $0x20;
	v1 =	vand.u32 $0x1F, v1;
	v14 =	vand.u32 $0x1F, v14  }
0x76: {  	v22 =	vand.u32 $0x1F, v22;
	v39 =	vmul.f32 v28, v39;
	[tilespmem:$0x1FEA0] =	vst v2;
	v2 =	vmul.f32 v26, v38  }
0x77: {  	v9 =	vand.u32 $0x1F, v9;
	v4 =	vmul.f32 v27, v46;
	v6 =	vmul.f32 v41, v50  }
0x78: {  	v50 =	vmul.f32 v18, v34;
	v19 =	vshrl.u32 v0, v19;
	[tilespmem:$0x1FEB0] =	vst v2;
	v2 =	vmul.f32 v30, v44  }
0x79: {  	v35 =	vcvt.s32.f32 v47;
	vm10 =	vlt.s32 v42, $0x20;
	vm11 =	vlt.s32 v57, $0x20  }
0x7a: {  	vm12 =	vlt.s32 v58, $0x20;
	v42 =	vand.u32 $0x1F, v42;
	v57 =	vand.u32 $0x1F, v57;
	v26 =	vld [tilespmem:s14+$0xB0];
	[tilespmem:$0x1FF20] =	vst v2  }
0x7b: {  	v58 =	vand.u32 $0x1F, v58;
	v51 =	vsel vm13, $0x77EFDFFF, v54;
	v33 =	vsel vm14, $0x77EFDFFF, v54;
	v28 =	vld [tilespmem:s14+$0xC0]  }
0x7c: {  	v49 =	vsel vm15, $0x77EFDFFF, v54;
	v55 =	vsel vm9, $0x77EFDFFF, v54;
	v19 =	vand.u32 $0x1, v19;
	v27 =	vld [tilespmem:s14+$0xD0]  }
0x7d: {  	v34 =	vsel vm10, $0x77EFDFFF, v54;
	v1 =	vshrl.u32 v51, v1;
	v14 =	vshrl.u32 v33, v14;
	v18 =	vld [tilespmem:s14+$0xE0]  }
0x7e: {  	v22 =	vshrl.u32 v49, v22;
	v9 =	vshrl.u32 v55, v9;
	v51 =	vsel vm11, $0x77EFDFFF, v54;
	v37 =	vld [tilespmem:s13+$0xFFFFFF80]  }
0x7f: {  	v42 =	vshrl.u32 v34, v42;
	v19 =	vcvt.s32.f32 v19;
	v1 =	vand.u32 $0x1, v1;
	v43 =	vld [tilespmem:s14+$0x100]  }
0x80: {  	v14 =	vand.u32 $0x1, v14;
	v22 =	vand.u32 $0x1, v22;
	v9 =	vand.u32 $0x1, v9;
	v36 =	vld [tilespmem:s13+$0xFFFFFF90]  }
0x81: {  	v42 =	vand.u32 $0x1, v42;
	v30 =	vshrl.u32 v45, v31;
	v1 =	vcvt.s32.f32 v1;
	v38 =	vld [tilespmem:s13+$0xFFFFFFA0]  }
0x82: {  	v31 =	vshrl.u32 v48, v15;
	v14 =	vcvt.s32.f32 v14;
	v22 =	vcvt.s32.f32 v22;
	v25 =	vld [tilespmem:s13+$0xFFFFFFB0]  }
0x83: {  	v15 =	vsel vm12, $0x77EFDFFF, v54;
	v9 =	vcvt.s32.f32 v9;
	v53 =	vcvt.s32.f32 v42;
	v0 =	vld [tilespmem:s13+$0xFFFFFFC0]  }
0x84: {  	v30 =	vand.u32 $0x1, v30;
	v31 =	vand.u32 $0x1, v31;
	v44 =	vshrl.u32 v15, v58;
	v32 =	vld [tilespmem:s13+$0xFFFFFFD0]  }
0x85: {  	v30 =	vcvt.s32.f32 v30;
	v31 =	vcvt.s32.f32 v31;
	v33 =	vld [tilespmem:s13+$0xFFFFFFE0];
	vm13 =	vlt.s32 v26, $0x20  }
0x86: {  	v45 =	vld [tilespmem:s14+$0x130];
	v26 =	vand.u32 $0x1F, v26;
	v49 =	vsel vm13, $0x77EFDFFF, v54;
	vm14 =	vlt.s32 v28, $0x20  }
0x87: {  	v58 =	vld [tilespmem:s13+$0x60];
	vm15 =	vlt.s32 v27, $0x20;
	v48 =	vmul.f32 v29, v37;
	v47 =	vmul.f32 v17, v36  }
0x88: {  	v52 =	vld [tilespmem:s14+$0x150];
	vm9 =	vlt.s32 v18, $0x20;
	v46 =	vmul.f32 v20, v38;
	v41 =	vmul.f32 v24, v25  }
0x89: {  	v29 =	vld [tilespmem:s14+$0x110];
	v28 =	vand.u32 $0x1F, v28;
	v3 =	vmul.f32 v21, v0;
	v27 =	vand.u32 $0x1F, v27  }
0x8a: {  	v20 =	vld [tilespmem:s14+$0x120];
	v18 =	vand.u32 $0x1F, v18;
	v2 =	vmul.f32 v23, v32;
	v34 =	vmul.f32 v35, v33  }
0x8b: {  	v21 =	vld [tilespmem:s14+$0x140];
	v37 =	vshrl.u32 v51, v57;
	v51 =	vshrl.u32 v49, v26;
	vm10 =	vlt.s32 v43, $0x20  }
0x8c: {  	v35 =	vld [tilespmem:s14+$0x160];
	vm13 =	vlt.s32 v45, $0x20;
	v24 =	vand.u32 $0x1F, v45;
	v38 =	vmul.f32 v9, v58  }
0x8d: {  	v0 =	vld [tilespmem:s13+$0x0];
	v25 =	vand.u32 $0x1F, v52;
	v55 =	vsel vm14, $0x77EFDFFF, v54;
	v59 =	vsel vm15, $0x77EFDFFF, v54  }
0x8e: {  	v26 =	vld [tilespmem:s13+$0x10];
	v17 =	vsel vm9, $0x77EFDFFF, v54;
	vm15 =	vlt.s32 v52, $0x20;
	v37 =	vand.u32 $0x1, v37  }
0x8f: {  	v23 =	vld [tilespmem:s13+$0x20];
	v28 =	vshrl.u32 v55, v28;
	v57 =	vshrl.u32 v59, v27;
	v17 =	vshrl.u32 v17, v18  }
0x90: {  	v18 =	vld [tilespmem:s13+$0x40];
	v37 =	vcvt.s32.f32 v37;
	v28 =	vand.u32 $0x1, v28;
	v17 =	vand.u32 $0x1, v17  }
0x91: {  	v52 =	vld [tilespmem:s14+$0x190];
	v28 =	vcvt.s32.f32 v28;
	vm11 =	vlt.s32 v29, $0x20;
	vm12 =	vlt.s32 v20, $0x20  }
0x92: {  	v27 =	vld [tilespmem:s13+$0x30];
	vm14 =	vlt.s32 v21, $0x20;
	vm8 =	vlt.s32 v35, $0x20;
	v32 =	vmul.f32 v30, v0  }
0x93: {  	v49 =	vld [tilespmem:s13+$0x50];
	v30 =	vsel vm10, $0x77EFDFFF, v54;
	v33 =	vmul.f32 v31, v26;
	v31 =	vand.u32 $0x1F, v43  }
0x94: {  	v36 =	vmul.f32 v19, v23;
	v29 =	vand.u32 $0x1F, v29;
	v20 =	vand.u32 $0x1F, v20  }
0x95: {  	v9 =	vand.u32 $0x1F, v21;
	v26 =	vand.u32 $0x1, v51;
	v0 =	vmul.f32 v14, v18;
	v14 =	vld [tilespmem:s13+$0x80]  }
0x96: {  	v45 =	vld [tilespmem:s13+$0xA0];
	v59 =	vsel vm11, $0x77EFDFFF, v54;
	v19 =	vsel vm12, $0x77EFDFFF, v54;
	v30 =	vshrl.u32 v30, v31  }
0x97: {  	v51 =	vld [tilespmem:s14+$0x1A0];
	vm10 =	vlt.s32 v52, $0x20;
	v40 =	vmul.f32 v1, v27;
	v1 =	vsel vm13, $0x77EFDFFF, v54  }
0x98: {  	v31 =	vld [tilespmem:s14+$0x180];
	v18 =	vshrl.u32 v59, v29;
	v29 =	vsel vm14, $0x77EFDFFF, v54;
	v27 =	vmul.f32 v22, v49  }
0x99: {  	v20 =	vshrl.u32 v19, v20;
	v19 =	vld [tilespmem:s13+$0xB0];
	v21 =	vshrl.u32 v1, v24;
	v1 =	vsel vm15, $0x77EFDFFF, v54  }
0x9a: {  	v29 =	vshrl.u32 v29, v9;
	v9 =	vand.u32 $0x1, v44;
	v15 =	vmul.f32 v53, v14;
	v14 =	vld [tilespmem:s13+$0xD0]  }
0x9b: {  	v22 =	vld [tilespmem:s13+$0x90];
	v44 =	vcvt.s32.f32 v26;
	v18 =	vand.u32 $0x1, v18;
	v43 =	vshrl.u32 v1, v25  }
0x9c: {  	v26 =	vld [tilespmem:s13+$0xE0];
	v1 =	vand.u32 $0x1F, v35;
	v55 =	vcvt.s32.f32 v9;
	v25 =	vand.u32 $0x1, v57  }
0x9d: {  	v24 =	vld [tilespmem:s13+$0xC0];
	v57 =	vsel vm10, $0x77EFDFFF, v54;
	v35 =	vcvt.s32.f32 v25;
	vm11 =	vlt.s32 v51, $0x20  }
0x9e: {  	vm9 =	vlt.s32 v31, $0x20;
	v53 =	vmul.f32 v55, v45;
	v55 =	vmul.f32 v44, v19;
	v19 =	vld [tilespmem:s14+$0x1C0]  }
0x9f: {  	v31 =	vand.u32 $0x1F, v31;
	v35 =	vmul.f32 v35, v14;
	v14 =	vcvt.s32.f32 v17  }
0xa0: {  	v58 =	vsel vm11, $0x77EFDFFF, v54;
	v16 =	vmul.f32 v37, v22;
	v49 =	vsel vm9, $0x77EFDFFF, v54;
	v44 =	vld [tilespmem:s14+$0x1E0]  }
0xa1: {  	v31 =	vshrl.u32 v49, v31;
	v17 =	vand.u32 $0x1F, v52;
	v49 =	vmul.f32 v14, v26;
	v14 =	vld [tilespmem:s13+$0x100]  }
0xa2: {  	v22 =	vld [tilespmem:s14+$0x1B0];
	v37 =	vmul.f32 v28, v24;
	v52 =	vshrl.u32 v57, v17;
	v17 =	vand.u32 $0x1F, v51  }
0xa3: {  	v28 =	vld [tilespmem:s14+$0x1D0];
	vm13 =	vlt.s32 v19, $0x20;
	v42 =	vshrl.u32 v58, v17;
	v17 =	vand.u32 $0x1, v30  }
0xa4: {  	v19 =	vand.u32 $0x1F, v19;
	v25 =	vsel vm13, $0x77EFDFFF, v54;
	v30 =	vld [tilespmem:s13+$0x110];
	v17 =	vcvt.s32.f32 v17  }
0xa5: {  	v18 =	vcvt.s32.f32 v18;
	vm15 =	vlt.s32 v44, $0x20;
	v57 =	vld [tilespmem:s13+$0x130];
	v51 =	vshrl.u32 v25, v19  }
0xa6: {  	v19 =	vmul.f32 v17, v14;
	v14 =	vand.u32 $0x1, v20;
	v17 =	vand.u32 $0x1, v21  }
0xa7: {  	v20 =	vand.u32 $0x1, v29;
	v21 =	vand.u32 $0x1F, v44;
	v29 =	vsel vm15, $0x77EFDFFF, v54  }
0xa8: {  	v9 =	vsel vm8, $0x77EFDFFF, v54;
	v45 =	vld [tilespmem:s13+$0x120];
	v21 =	vshrl.u32 v29, v21;
	v29 =	vcvt.s32.f32 v17  }
0xa9: {  	v59 =	vshrl.u32 v9, v1;
	v18 =	vmul.f32 v18, v30;
	v30 =	vld [tilespmem:s13+$0x140]  }
0xaa: {  	vm12 =	vlt.s32 v22, $0x20;
	vm14 =	vlt.s32 v28, $0x20;
	v25 =	vmul.f32 v29, v57;
	v29 =	vld [tilespmem:s13+$0x160]  }
0xab: {  	v24 =	vsel vm12, $0x77EFDFFF, v54;
	v26 =	vsel vm14, $0x77EFDFFF, v54;
	v54 =	vld [tilespmem:s13+$0x150];
	v14 =	vcvt.s32.f32 v14  }
0xac: {  	v59 =	vand.u32 $0x1, v59;
	v28 =	vand.u32 $0x1F, v28;
	v17 =	vld [tilespmem:$0x1FED0]  }
0xad: {  	v1 =	vmovc v5;
	v28 =	vshrl.u32 v26, v28;
	v26 =	vcvt.s32.f32 v59;
	v23 =	vmul.f32 v14, v45;
	v14 =	vld [tilespmem:$0x1FEC0]  }
0xae: {  	v5 =	vmov v7;
	v22 =	vand.u32 $0x1F, v22;
	v44 =	vadd.f32 v7, v1;
	v7 =	vld [tilespmem:$0x1FEA0]  }
0xaf: {  	v22 =	vshrl.u32 v24, v22;
	[tilespmem:$0x1FEE0] =	vst v61;
	v24 =	vmul.f32 v26, v29;
	v26 =	vld [tilespmem:$0x1FF20]  }
0xb0: {  	v43 =	vand.u32 $0x1, v43;
	v20 =	vcvt.s32.f32 v20;
	[tilespmem:$0x1FEF0] =	vst v56  }
0xb1: {  	v9 =	vld [tilespmem:$0x1FEB0];
	v43 =	vcvt.s32.f32 v43;
	v58 =	vadd.f32 v13, v10;
	[tilespmem:$0x1FF00] =	vst v62  }
0xb2: {  	v61 =	vadd.f32 v56, v61;
	[tilespmem:$0x1FF10] =	vst v8;
	v45 =	vmul.f32 v20, v30;
	v59 =	vadd.f32 v17, v14  }
0xb3: {  	v30 =	vadd.f32 v7, v44;
	v44 =	vmul.f32 v43, v54;
	v54 =	vadd.f32 v8, v62;
	v62 =	vld [tilespmem:s13+$0x180];
	[tilespmem:$0x1FF30] =	vst v4  }
0xb4: {  	v61 =	vadd.f32 v4, v61;
	v29 =	vadd.f32 v26, v59;
	v59 =	vld [tilespmem:s13+$0x190];
	[tilespmem:$0x1FF40] =	vst v6  }
0xb5: {  	v43 =	vadd.f32 v6, v54;
	[tilespmem:$0x1FF50] =	vst v3  }
0xb6: {  	v57 =	vadd.f32 v9, v58;
	v58 =	vadd.f32 v3, v61;
	v61 =	vld [tilespmem:s13+$0x1A0];
	[tilespmem:$0x1FF60] =	vst v2  }
0xb7: {  	v31 =	vand.u32 $0x1, v31;
	v43 =	vadd.f32 v2, v43;
	v2 =	vld [tilespmem:s13+$0x1B0]  }
0xb8: {  	v31 =	vcvt.s32.f32 v31;
	v42 =	vand.u32 $0x1, v42;
	v30 =	vadd.f32 v48, v30  }
0xb9: {  	v22 =	vand.u32 $0x1, v22;
	v42 =	vcvt.s32.f32 v42;
	v57 =	vadd.f32 v47, v57  }
0xba: {  	v52 =	vand.u32 $0x1, v52;
	v22 =	vcvt.s32.f32 v22;
	v30 =	vadd.f32 v32, v30  }
0xbb: {  	v57 =	vadd.f32 v33, v57;
	v29 =	vadd.f32 v41, v29;
	v61 =	vmul.f32 v42, v61  }
0xbc: {  	v56 =	vmovc v27;
	v42 =	vadd.f32 v27, v43;
	v27 =	vmul.f32 v22, v2;
	v22 =	vadd.f32 v15, v30  }
0xbd: {  	v52 =	vcvt.s32.f32 v52;
	v29 =	vadd.f32 v40, v29  }
0xbe: {  	v31 =	vmul.f32 v31, v62;
	v30 =	vadd.f32 v16, v57;
	v22 =	vadd.f32 v19, v22  }
0xbf: {  	v8 =	vadd.f32 v60, v63;
	v29 =	vadd.f32 v55, v29  }
0xc0: {  	v62 =	vld [tilespmem:s13+$0x1C0];
	v59 =	vmul.f32 v52, v59;
	v30 =	vadd.f32 v18, v30;
	v22 =	vadd.f32 v31, v22  }
0xc1: {  	v4 =	vadd.f32 v50, v8;
	v29 =	vadd.f32 v25, v29  }
0xc2: {  	v51 =	vand.u32 $0x1, v51;
	v30 =	vadd.f32 v59, v30;
	v22 =	vadd.f32 $1.000000010e-10, v22  }
0xc3: {  	v51 =	vcvt.s32.f32 v51;
	v58 =	vadd.f32 v0, v58;
	v52 =	vadd.f32 v34, v4  }
0xc4: {  	v54 =	vmovc v0;
	v0 =	vld [tilespmem:$0x1FF80];
	(erf) = vrcp.f32 v22;
	v22 =	vadd.f32 v27, v29;
	v29 =	vadd.f32 $1.000000010e-10, v30  }
0xc5: {  	v43 =	vadd.f32 v38, v52;
	v52 =	vmul.f32 v51, v62;
	v62 =	vld [tilespmem:s13+$0x1E0];
	_ =	sdelay $0x1  }
0xc6: {  	v21 =	vand.u32 $0x1, v21  }
0xc7: {  	v21 =	vcvt.s32.f32 v21;
	(erf) = vrcp.f32 v29;
	v29 =	vpop (erf)  }
0xc8: {  	v8 =	vmul.f32 v29, v0;
	v0 =	vld [tilespmem:$0x1FF90]  }
0xc9: {  	v62 =	vmul.f32 v21, v62;
	_ =	sdelay $0x1  }
0xca: {  	s14 =	simm.s32 $0x4200;
	v57 =	vld [tilespmem:s13+$0x1D0];
	[tilespmem:$0x1FF70] =	vst v62  }
0xcb: {  	[tilespmem:s14+$0x1F0] =	vst v8  }
0xcc: {  	v2 =	vmul.f32 v29, v0;
	v0 =	vld [tilespmem:$0x1FFA0];
	_ =	sdelay $0x1  }
0xcd: {  	v20 =	vadd.f32 v12, v11;
	_ =	sdelay $0x1  }
0xce: {  	v20 =	vadd.f32 v39, v20;
	[tilespmem:s14+$0xFFFFFE70] =	vst v2  }
0xcf: {  	v8 =	vmul.f32 v29, v0;
	v0 =	vld [tilespmem:$0x1FFB0]  }
0xd0: {  	v20 =	vadd.f32 v46, v20;
	_ =	sdelay $0x1  }
0xd1: {  	v20 =	vadd.f32 v36, v20  }
0xd2: {  	[tilespmem:s14+$0xFFFFFEF0] =	vst v8  }
0xd3: {  	v20 =	vadd.f32 v53, v20;
	v2 =	vmul.f32 v29, v0;
	v0 =	vld [tilespmem:$0x1FFC0];
	_ =	sdelay $0x1  }
0xd4: {  	v28 =	vand.u32 $0x1, v28;
	v20 =	vadd.f32 v23, v20  }
0xd5: {  	v28 =	vcvt.s32.f32 v28;
	v58 =	vadd.f32 v37, v58;
	v42 =	vadd.f32 v35, v42  }
0xd6: {  	v20 =	vadd.f32 v61, v20;
	v43 =	vadd.f32 v49, v43  }
0xd7: {  	v51 =	vmul.f32 v28, v57;
	v28 =	vadd.f32 v45, v58;
	v3 =	vmul.f32 v29, v0;
	v0 =	vld [tilespmem:$0x1FFD0]  }
0xd8: {  	v42 =	vadd.f32 v44, v42;
	v20 =	vadd.f32 $1.000000010e-10, v20  }
0xd9: {  	v43 =	vadd.f32 v24, v43;
	v21 =	vadd.f32 v52, v28  }
0xda: {  	v28 =	vadd.f32 v51, v42;
	v22 =	vadd.f32 $1.000000010e-10, v22  }
0xdb: {  	v21 =	vadd.f32 $1.000000010e-10, v21;
	(erf) = vrcp.f32 v20;
	v20 =	vadd.f32 v62, v43;
	[tilespmem:s14+$0xFFFFFF70] =	vst v2  }
0xdc: {  	(erf) = vrcp.f32 v22;
	v22 =	vadd.f32 $1.000000010e-10, v28;
	v4 =	vmul.f32 v29, v0;
	v0 =	vld [tilespmem:$0x1FFE0]  }
0xdd: {  	(erf) = vrcp.f32 v21;
	v20 =	vadd.f32 $1.000000010e-10, v20  }
0xde: {  	(erf) = vrcp.f32 v22  }
0xdf: {  	(erf) = vrcp.f32 v20;
	v2 =	vpop (erf)  }
0xe0: {  	v5 =	vmul.f32 v2, v5;
	v6 =	vmul.f32 v2, v48;
	v8 =	vpop (erf)  }
0xe1: {  	v30 =	vmul.f32 v8, v59;
	v43 =	vmul.f32 v29, v0;
	v0 =	vld [tilespmem:$0x1FFF0];
	[tilespmem:s14+$0xFFFFFFF0] =	vst v3  }
0xe2: {  	v3 =	vmul.f32 v2, v1;
	[tilespmem:s14+$0x70] =	vst v4;
	v4 =	vmul.f32 v2, v7  }
0xe3: {  	v7 =	vmul.f32 v2, v15;
	[tilespmem:s14+$0xFFFFFE80] =	vst v5;
	v5 =	vmul.f32 v2, v19  }
0xe4: {  	v15 =	vmul.f32 v8, v13;
	[tilespmem:s14+$0xFFFFFF80] =	vst v6;
	v6 =	vmul.f32 v8, v9  }
0xe5: {  	v19 =	vmul.f32 v8, v47;
	v1 =	vmul.f32 v8, v16;
	[tilespmem:s14+$0xFFFFFE00] =	vst v3  }
0xe6: {  	v3 =	vmul.f32 v2, v32;
	v2 =	vmul.f32 v2, v31;
	[tilespmem:s14+$0xFFFFFF00] =	vst v4  }
0xe7: {  	v4 =	vmul.f32 v8, v10;
	[tilespmem:s14+$0x80] =	vst v7;
	v32 =	vmul.f32 v8, v18  }
0xe8: {  	[tilespmem:s14+$0x0] =	vst v3;
	v3 =	vmul.f32 v8, v33;
	v7 =	vpop (erf);
	v42 =	vmul.f32 v29, v0  }
0xe9: {  	[tilespmem:s14+$0x100] =	vst v5;
	v31 =	vmul.f32 v7, v11;
	v16 =	vmul.f32 v7, v12  }
0xea: {  	[tilespmem:s14+$0xFFFFFE90] =	vst v15;
	v12 =	vmul.f32 v7, v39;
	v11 =	vmul.f32 v7, v46  }
0xeb: {  	[tilespmem:s14+$0xFFFFFF10] =	vst v6;
	v9 =	vmul.f32 v7, v36;
	v5 =	vmul.f32 v7, v53  }
0xec: {  	[tilespmem:s14+$0xFFFFFE10] =	vst v4;
	v29 =	vmul.f32 v7, v23;
	v28 =	vmul.f32 v7, v61;
	v4 =	vpop (erf)  }
0xed: {  	[tilespmem:s14+$0xFFFFFF90] =	vst v19;
	v7 =	vmul.f32 v4, v14;
	v22 =	vmul.f32 v4, v17  }
0xee: {  	[tilespmem:s14+$0x90] =	vst v1;
	v6 =	vpop (erf);
	v21 =	vmul.f32 v4, v26;
	v8 =	vmul.f32 v4, v41  }
0xef: {  	[tilespmem:s14+$0x180] =	vst v2;
	v20 =	vmul.f32 v4, v40;
	v10 =	vmul.f32 v4, v55;
	v2 =	vpop (erf)  }
0xf0: {  	s16 =	simm.s32 $0x0;
	s17 =	simm.s32 $0x2600;
	s15 =	simm.s32 $0x4200;
	v57 =	vmov v24;
	[tilespmem:s14+$0x10] =	vst v3;
	v19 =	vmul.f32 v4, v25;
	v18 =	vmul.f32 v4, v27;
	v36 =	vpop (erf)  }
.LBB2_2:
0xf1: {  	v0 =	vld [tilespmem:$0x1FEE0];
	_ =	sdelay $0x4  }
0xf2: {  	v25 =	vmul.f32 v6, v0;
	v0 =	vld [tilespmem:$0x1FEF0];
	_ =	sdelay $0x4  }
0xf3: {  	[tilespmem:$0x1FCA0] =	vst v63;
	v63 =	vmul.f32 v6, v0;
	v0 =	vld [tilespmem:$0x1FF30];
	_ =	sdelay $0x4  }
0xf4: {  	[tilespmem:s14+$0x190] =	vst v30;
	v30 =	vmul.f32 v6, v0;
	v0 =	vld [tilespmem:$0x1FF50];
	_ =	sdelay $0x4  }
0xf5: {  	v24 =	vmul.f32 v6, v0;
	v0 =	vld [tilespmem:$0x1FF00];
	_ =	sdelay $0x4  }
0xf6: {  	[tilespmem:s14+$0xFFFFFEA0] =	vst v16;
	v16 =	vmul.f32 v2, v0;
	v0 =	vld [tilespmem:$0x1FF10]  }
0xf7: {  	v3 =	vld [tilespmem:s17+$0x1F0]  }
0xf8: {  	v33 =	vld [tilespmem:s17+$0x170]  }
0xf9: {  	v15 =	vld [tilespmem:s17+$0xF0]  }
0xfa: {  	[tilespmem:$0x1FD20] =	vst v49;
	v46 =	vld [tilespmem:s17+$0x70]  }
0xfb: {  	[tilespmem:$0x1FD30] =	vst v57;
	v14 =	vmul.f32 v2, v0;
	v0 =	vld [tilespmem:$0x1FF40]  }
0xfc: {  	[tilespmem:$0x1FCE0] =	vst v50;
	v48 =	vld [tilespmem:s17+$0xFFFFFFF0]  }
0xfd: {  	[tilespmem:$0x1FCC0] =	vst v60;
	v49 =	vld [tilespmem:s17+$0xFFFFFF70]  }
0xfe: {  	v27 =	vmul.f32 v6, v54;
	v17 =	vmul.f32 v6, v52;
	[tilespmem:s14+$0xFFFFFF20] =	vst v12;
	v23 =	vld [tilespmem:s17+$0xFFFFFE70]  }
0xff: {  	v26 =	vld [tilespmem:s17+$0xFFFFFEF0];
	v4 =	vmul.f32 v2, v51;
	[tilespmem:s14+$0x20] =	vst v9;
	v9 =	vmul.f32 v2, v56  }
0x100: {  	[tilespmem:s14+$0x120] =	vst v29;
	v50 =	vand.u32 $0x1F, v33;
	v39 =	vand.u32 $0x1F, v3;
	v12 =	vmul.f32 v2, v0;
	v0 =	vld [tilespmem:$0x1FF60]  }
0x101: {  	[tilespmem:s14+$0xFFFFFE30] =	vst v7;
	vm0 =	vlt.s32 v3, $0x20;
	v29 =	vand.u32 $0x1F, v15;
	vm2 =	vlt.s32 v15, $0x20  }
0x102: {  	[tilespmem:s14+$0x1A0] =	vst v28;
	v28 =	vand.u32 $0x1F, v48;
	v51 =	vand.u32 $0x1F, v46;
	vm3 =	vlt.s32 v46, $0x20  }
0x103: {  	[tilespmem:s14+$0xFFFFFEB0] =	vst v22;
	v15 =	vand.u32 $0x1F, v49;
	vm5 =	vlt.s32 v49, $0x20;
	vm4 =	vlt.s32 v48, $0x20  }
0x104: {  	s13 =	sadd.s32 $0x400, s13;
	[tilespmem:s14+$0xFFFFFFA0] =	vst v11;
	v22 =	vand.u32 $0x1F, v23;
	vm6 =	vlt.s32 v23, $0x20;
	vm7 =	vlt.s32 v26, $0x20  }
0x105: {  	[tilespmem:s14+$0xFFFFFF30] =	vst v21;
	v53 =	vld [tilespmem:s13+$0xFFFFFEF0];
	v26 =	vand.u32 $0x1F, v26;
	v11 =	vmul.f32 v2, v0;
	v0 =	vimm.s32 $0xFDEFFFAF  }
0x106: {  	[tilespmem:s14+$0xFFFFFFB0] =	vst v8;
	v23 =	vld [tilespmem:s13+$0xFFFFFE70];
	v21 =	vsel vm6, $0x77EFDFFF, v0;
	v52 =	vsel vm7, $0x77EFDFFF, v0;
	v54 =	vsel vm5, $0x77EFDFFF, v0  }
0x107: {  	[tilespmem:s14+$0x30] =	vst v20;
	v55 =	vsel vm4, $0x77EFDFFF, v0;
	v21 =	vshrl.u32 v21, v22;
	v22 =	vshrl.u32 v52, v26  }
0x108: {  	[tilespmem:s14+$0xB0] =	vst v10;
	v15 =	vshrl.u32 v54, v15;
	v20 =	vand.u32 $0x1, v21;
	v21 =	vand.u32 $0x1, v22;
	v22 =	vld [tilespmem:s13+$0xFFFFFF70]  }
0x109: {  	v10 =	vld [tilespmem:s17+$0xFFFFFE30];
	[tilespmem:s14+$0x130] =	vst v19;
	v15 =	vand.u32 $0x1, v15;
	v20 =	vcvt.s32.f32 v20;
	v21 =	vcvt.s32.f32 v21  }
0x10a: {  	v56 =	vld [tilespmem:s13+$0xFFFFFFF0];
	[tilespmem:s14+$0x1B0] =	vst v18;
	v57 =	vsel vm3, $0x77EFDFFF, v0;
	v18 =	vshrl.u32 v55, v28;
	v19 =	vcvt.s32.f32 v15  }
0x10b: {  	[tilespmem:s14+$0xFFFFFE40] =	vst v25;
	v18 =	vand.u32 $0x1, v18;
	v40 =	vmul.f32 v20, v23;
	v13 =	vmul.f32 v21, v53  }
0x10c: {  	vm1 =	vlt.s32 v33, $0x20;
	[tilespmem:s14+$0xFFFFFEC0] =	vst v63;
	v18 =	vcvt.s32.f32 v18;
	v20 =	vshrl.u32 v57, v51;
	v21 =	vld [tilespmem:s13+$0x70]  }
0x10d: {  	v25 =	vld [tilespmem:s17+$0xFFFFFE40];
	v23 =	vsel vm2, $0x77EFDFFF, v0;
	[tilespmem:$0x1FD60] =	vst v13;
	v58 =	vadd.f32 v13, v40;
	v13 =	vmul.f32 v19, v22  }
0x10e: {  	[tilespmem:s14+$0xFFFFFF40] =	vst v30;
	v19 =	vand.u32 $0x1, v20;
	v20 =	vshrl.u32 v23, v29;
	v22 =	vld [tilespmem:s13+$0xF0];
	v23 =	vsel vm1, $0x77EFDFFF, v0  }
0x10f: {  	v1 =	vld [tilespmem:s17+$0xFFFFFE80];
	[tilespmem:$0x1FD70] =	vst v13;
	v59 =	vadd.f32 v13, v58;
	v13 =	vmul.f32 v18, v56;
	v18 =	vcvt.s32.f32 v19  }
0x110: {  	[tilespmem:s14+$0xFFFFFFC0] =	vst v24;
	v60 =	vsel vm0, $0x77EFDFFF, v0;
	v19 =	vand.u32 $0x1, v20;
	v20 =	vshrl.u32 v23, v50;
	v23 =	vld [tilespmem:s13+$0x170]  }
0x111: {  	v28 =	vld [tilespmem:s17+$0xFFFFFEC0];
	[tilespmem:$0x1FD80] =	vst v13;
	v24 =	vadd.f32 v13, v59;
	v13 =	vmul.f32 v18, v21;
	v18 =	vcvt.s32.f32 v19  }
0x112: {  	[tilespmem:s14+$0x1C0] =	vst v17;
	v19 =	vand.u32 $0x1, v20;
	v20 =	vshrl.u32 v60, v39;
	v21 =	vld [tilespmem:s13+$0x1F0]  }
0x113: {  	[tilespmem:$0x1FD90] =	vst v13;
	v17 =	vadd.f32 v13, v24;
	v13 =	vmul.f32 v18, v22;
	v18 =	vcvt.s32.f32 v19  }
0x114: {  	v19 =	vand.u32 $0x1, v20  }
0x115: {  	[tilespmem:$0x1FDA0] =	vst v13;
	v20 =	vadd.f32 v13, v17;
	v13 =	vmul.f32 v18, v23;
	v18 =	vcvt.s32.f32 v19  }
0x116: {  	vm14 =	vlt.s32 v1, $0x20  }
0x117: {  	[tilespmem:s14+$0xFFFFFE20] =	vst v31;
	v1 =	vand.u32 $0x1F, v1;
	v18 =	vmul.f32 v18, v21;
	v21 =	vsel vm14, $0x77EFDFFF, v0  }
0x118: {  	[tilespmem:s14+$0xA0] =	vst v5;
	v1 =	vshrl.u32 v21, v1  }
0x119: {  	[tilespmem:$0x1FD40] =	vst v40;
	v40 =	vand.u32 $0x1, v1;
	v1 =	vld [tilespmem:s17+$0x20];
	_ =	sdelay $0x2  }
0x11a: {  	v61 =	vld [tilespmem:s17+$0xFFFFFED0]  }
0x11b: {  	v7 =	vld [tilespmem:s17+$0xFFFFFE20]  }
0x11c: {  	[tilespmem:$0x1FA50] =	vst v1;
	v1 =	vld [tilespmem:s13+$0xFFFFFF00]  }
0x11d: {  	[tilespmem:s14+$0x110] =	vst v32;
	v8 =	vld [tilespmem:s17+$0xFFFFFEA0]  }
0x11e: {  	v31 =	vmul.f32 v6, v37;
	v47 =	vmul.f32 v6, v45;
	v3 =	vld [tilespmem:s17+$0xFFFFFE90]  }
0x11f: {  	v5 =	vmul.f32 v2, v44;
	v6 =	vmul.f32 v2, v35;
	v2 =	vld [tilespmem:s17+$0xFFFFFE10];
	[tilespmem:s14+$0x40] =	vst v27  }
0x120: {  	[tilespmem:s14+$0xC0] =	vst v31;
	v27 =	vld [tilespmem:s17+$0xFFFFFE50]  }
0x121: {  	vm10 =	vlt.s32 v61, $0x20;
	[tilespmem:$0x1FA60] =	vst v1;
	v1 =	vld [tilespmem:s17+$0x80]  }
0x122: {  	vm13 =	vlt.s32 v25, $0x20;
	vm4 =	vlt.s32 v7, $0x20;
	vm5 =	vlt.s32 v8, $0x20;
	[tilespmem:s14+$0xFFFFFE50] =	vst v16;
	v16 =	vld [tilespmem:s17+$0xFFFFFE60]  }
0x123: {  	v7 =	vand.u32 $0x1F, v7;
	[tilespmem:s14+$0xFFFFFED0] =	vst v14;
	v14 =	vld [tilespmem:s17+$0xFFFFFEE0];
	v30 =	vsel vm4, $0x77EFDFFF, v0;
	v31 =	vsel vm5, $0x77EFDFFF, v0  }
0x124: {  	v48 =	vld [tilespmem:s17+$0xFFFFFF80];
	[tilespmem:s14+$0x140] =	vst v47;
	v54 =	vsel vm10, $0x77EFDFFF, v0;
	v26 =	vand.u32 $0x1F, v61;
	v7 =	vshrl.u32 v30, v7  }
0x125: {  	v35 =	vld [tilespmem:s17+$0xFFFFFF60];
	[tilespmem:s14+$0xFFFFFF50] =	vst v12;
	vm15 =	vlt.s32 v2, $0x20;
	vm2 =	vlt.s32 v10, $0x20;
	v51 =	vsel vm13, $0x77EFDFFF, v0  }
0x126: {  	v57 =	vand.u32 $0x1F, v10;
	vm8 =	vlt.s32 v28, $0x20;
	vm9 =	vlt.s32 v27, $0x20;
	[tilespmem:$0x1FA90] =	vst v1;
	v1 =	vld [tilespmem:s13+$0xFFFFFF10]  }
0x127: {  	[tilespmem:s14+$0xFFFFFFD0] =	vst v11;
	v15 =	vld [tilespmem:s17+$0xFFFFFEB0];
	vm11 =	vlt.s32 v16, $0x20;
	v62 =	vsel vm2, $0x77EFDFFF, v0;
	v28 =	vand.u32 $0x1F, v28  }
0x128: {  	[tilespmem:s14+$0x50] =	vst v9;
	v27 =	vand.u32 $0x1F, v27;
	v46 =	vand.u32 $0x1F, v16;
	v47 =	vand.u32 $0x1F, v14  }
0x129: {  	[tilespmem:s14+$0xD0] =	vst v6;
	vm1 =	vlt.s32 v3, $0x20;
	v52 =	vsel vm8, $0x77EFDFFF, v0;
	v53 =	vsel vm9, $0x77EFDFFF, v0  }
0x12a: {  	[tilespmem:s14+$0x150] =	vst v5;
	v55 =	vsel vm11, $0x77EFDFFF, v0;
	v3 =	vand.u32 $0x1F, v3;
	v30 =	vshrl.u32 v62, v57  }
0x12b: {  	vm8 =	vlt.s32 v35, $0x20;
	v35 =	vand.u32 $0x1F, v35;
	vm9 =	vlt.s32 v48, $0x20;
	[tilespmem:$0x1FA70] =	vst v1;
	v1 =	vld [tilespmem:s17+$0x90]  }
0x12c: {  	v12 =	vld [tilespmem:s17+$0xFFFFFE00];
	[tilespmem:s14+$0x1D0] =	vst v4;
	vm12 =	vlt.s32 v15, $0x20;
	v29 =	vsel vm1, $0x77EFDFFF, v0;
	v15 =	vand.u32 $0x1F, v15  }
0x12d: {  	v32 =	vld [tilespmem:s17+$0xFFFFFF50];
	v28 =	vshrl.u32 v52, v28;
	v52 =	vshrl.u32 v55, v46;
	v30 =	vand.u32 $0x1, v30  }
0x12e: {  	v62 =	vsel vm8, $0x77EFDFFF, v0;
	v63 =	vsel vm12, $0x77EFDFFF, v0;
	v56 =	vand.u32 $0x1F, v8;
	v8 =	vld [tilespmem:s17+$0xFFFFFFB0]  }
0x12f: {  	v58 =	vand.u32 $0x1F, v25;
	v3 =	vshrl.u32 v29, v3;
	v50 =	vshrl.u32 v53, v27;
	v24 =	vld [tilespmem:s17+$0xFFFFFF40]  }
0x130: {  	v28 =	vand.u32 $0x1, v28;
	v29 =	vshrl.u32 v31, v56;
	v11 =	vadd.f32 v13, v20;
	[tilespmem:$0x1FAA0] =	vst v1;
	v1 =	vld [tilespmem:s13+$0xFFFFFF20]  }
0x131: {  	v31 =	vshrl.u32 v63, v15;
	v49 =	vshrl.u32 v51, v58;
	v51 =	vshrl.u32 v54, v26;
	v17 =	vld [tilespmem:s17+$0xFFFFFF00]  }
0x132: {  	[tilespmem:$0x1FD00] =	vst v34;
	v34 =	vand.u32 $0x1, v50;
	v27 =	vcvt.s32.f32 v28;
	v19 =	vld [tilespmem:s17+$0xFFFFFF10];
	v6 =	vadd.f32 v18, v11  }
0x133: {  	v33 =	vand.u32 $0x1, v49;
	v50 =	vcvt.s32.f32 v34;
	v22 =	vsel vm15, $0x77EFDFFF, v0;
	v20 =	vld [tilespmem:s17+$0xFFFFFF20]  }
0x134: {  	vm15 =	vlt.s32 v12, $0x20;
	vm14 =	vlt.s32 v14, $0x20;
	v4 =	vadd.f32 $1.000000010e-10, v6;
	v6 =	vld [tilespmem:s17+$0xFFFFFFA0]  }
0x135: {  	v12 =	vand.u32 $0x1F, v12;
	v34 =	vand.u32 $0x1F, v8;
	v41 =	vsel vm14, $0x77EFDFFF, v0;
	[tilespmem:$0x1FA80] =	vst v1;
	v1 =	vld [tilespmem:s17+$0xA0]  }
0x136: {  	vm14 =	vlt.s32 v24, $0x20;
	v24 =	vand.u32 $0x1F, v24;
	v11 =	vsel vm15, $0x77EFDFFF, v0  }
0x137: {  	v5 =	vld [tilespmem:s17+$0xFFFFFF90];
	v53 =	vshrl.u32 v41, v47;
	vm15 =	vlt.s32 v32, $0x20;
	v63 =	vsel vm14, $0x77EFDFFF, v0  }
0x138: {  	v9 =	vld [tilespmem:s17+$0xFFFFFFC0];
	v59 =	vshrl.u32 v11, v12;
	vm10 =	vlt.s32 v17, $0x20;
	vm11 =	vlt.s32 v19, $0x20  }
0x139: {  	v23 =	vld [tilespmem:s17+$0xFFFFFF30];
	v39 =	vand.u32 $0x1, v59;
	v58 =	vsel vm11, $0x77EFDFFF, v0;
	vm11 =	vlt.s32 v6, $0x20  }
0x13a: {  	v10 =	vld [tilespmem:s17+$0xFFFFFFD0];
	vm12 =	vlt.s32 v20, $0x20;
	v6 =	vand.u32 $0x1F, v6;
	[tilespmem:$0x1FAB0] =	vst v1;
	v1 =	vsel vm11, $0x77EFDFFF, v0  }
0x13b: {  	v20 =	vand.u32 $0x1F, v20;
	v59 =	vsel vm12, $0x77EFDFFF, v0;
	v6 =	vshrl.u32 v1, v6;
	v1 =	vld [tilespmem:s17+$0x100]  }
0x13c: {  	v11 =	vld [tilespmem:s17+$0xFFFFFFE0];
	v57 =	vsel vm10, $0x77EFDFFF, v0;
	vm10 =	vlt.s32 v5, $0x20;
	v46 =	vshrl.u32 v59, v20  }
0x13d: {  	v59 =	vcvt.s32.f32 v33;
	v33 =	vand.u32 $0x1F, v48;
	v48 =	vand.u32 $0x1F, v5;
	v5 =	vld [tilespmem:s17+$0xC0]  }
0x13e: {  	v16 =	vld [tilespmem:s13+$0xFFFFFE50];
	vm13 =	vlt.s32 v23, $0x20;
	v61 =	vsel vm15, $0x77EFDFFF, v0;
	v17 =	vand.u32 $0x1F, v17  }
0x13f: {  	v21 =	vld [tilespmem:s13+$0xFFFFFEC0];
	v23 =	vand.u32 $0x1F, v23;
	v63 =	vshrl.u32 v63, v24;
	v24 =	vshrl.u32 v62, v35  }
0x140: {  	v47 =	vsel vm13, $0x77EFDFFF, v0;
	v44 =	vshrl.u32 v57, v17;
	v57 =	vcvt.s32.f32 v30;
	[tilespmem:$0x1FB20] =	vst v1;
	v1 =	vld [tilespmem:s13+$0xFFFFFF90]  }
0x141: {  	v25 =	vld [tilespmem:s17+$0x0];
	v30 =	vshrl.u32 v47, v23;
	v23 =	vand.u32 $0x1, v24;
	vm15 =	vlt.s32 v11, $0x20  }
0x142: {  	v26 =	vld [tilespmem:s13+$0xFFFFFE90];
	v24 =	vsel vm10, $0x77EFDFFF, v0;
	v11 =	vand.u32 $0x1F, v11;
	[tilespmem:$0x1FAD0] =	vst v5;
	v5 =	vsel vm15, $0x77EFDFFF, v0  }
0x143: {  	v56 =	vld [tilespmem:s13+$0xFFFFFEA0];
	vm12 =	vlt.s32 v8, $0x20;
	v8 =	vshrl.u32 v24, v48;
	v5 =	vshrl.u32 v5, v11  }
0x144: {  	v24 =	vmul.f32 v27, v21;
	v27 =	vcvt.s32.f32 v23;
	v23 =	vand.u32 $0x1, v5;
	v5 =	vld [tilespmem:s13+$0x0]  }
0x145: {  	[tilespmem:$0x1FAF0] =	vst v1;
	v1 =	vld [tilespmem:s17+$0x110]  }
0x146: {  	v54 =	vld [tilespmem:s13+$0xFFFFFE60]  }
0x147: {  	v28 =	vld [tilespmem:s13+$0xFFFFFF60]  }
0x148: {  	v60 =	vld [tilespmem:s13+$0xFFFFFE10];
	(erf) = vrcp.f32 v4  }
0x149: {  	[tilespmem:$0x1FB50] =	vst v5;
	v5 =	vld [tilespmem:s17+$0x180]  }
0x14a: {  	[tilespmem:$0x1FB30] =	vst v1;
	v1 =	vld [tilespmem:s13+$0xFFFFFFA0]  }
0x14b: {  	[tilespmem:s14+$0xF0] =	vst v43;
	v43 =	vand.u32 $0x1, v31;
	v31 =	vld [tilespmem:s13+$0xFFFFFEB0]  }
0x14c: {  	v2 =	vand.u32 $0x1F, v2;
	[tilespmem:s14+$0x170] =	vst v42;
	v42 =	vand.u32 $0x1, v7;
	v7 =	vld [tilespmem:s17+$0x40]  }
0x14d: {  	v2 =	vshrl.u32 v22, v2;
	v22 =	vld [tilespmem:s17+$0x30]  }
0x14e: {  	[tilespmem:$0x1FBA0] =	vst v5;
	v5 =	vld [tilespmem:s13+$0x10]  }
0x14f: {  	v37 =	vand.u32 $0x1, v52;
	[tilespmem:$0x1FB00] =	vst v1;
	v1 =	vld [tilespmem:s17+$0x120]  }
0x150: {  	v37 =	vcvt.s32.f32 v37;
	v14 =	vld [tilespmem:s13+$0xFFFFFE80]  }
0x151: {  	[tilespmem:$0x1FD10] =	vst v38;
	v49 =	vand.u32 $0x1F, v9;
	v2 =	vand.u32 $0x1, v2;
	v32 =	vand.u32 $0x1F, v32;
	v20 =	vld [tilespmem:s17+$0x60];
	v4 =	vpop (erf)  }
0x152: {  	vm14 =	vlt.s32 v10, $0x20;
	v10 =	vand.u32 $0x1F, v10;
	[tilespmem:$0x1FD50] =	vst v4;
	v15 =	vmul.f32 v4, v18;
	v4 =	vld [tilespmem:s17+$0x10]  }
0x153: {  	v38 =	vand.u32 $0x1, v53;
	v40 =	vcvt.s32.f32 v40;
	v32 =	vshrl.u32 v61, v32;
	[tilespmem:$0x1FB60] =	vst v5;
	v5 =	vld [tilespmem:$0x1FA60]  }
0x154: {  	vm13 =	vlt.s32 v9, $0x20;
	v62 =	vand.u32 $0x1, v63;
	v63 =	vand.u32 $0x1, v32;
	[tilespmem:$0x1FB40] =	vst v1;
	v1 =	vld [tilespmem:s13+$0xFFFFFFB0]  }
0x155: {  	[tilespmem:$0x1FDB0] =	vst v13;
	v13 =	vld [tilespmem:s13+$0xFFFFFE00];
	v32 =	vsel vm9, $0x77EFDFFF, v0;
	vm9 =	vlt.s32 v25, $0x20;
	v25 =	vand.u32 $0x1F, v25  }
0x156: {  	v12 =	vld [tilespmem:s13+$0xFFFFFE20];
	v35 =	vand.u32 $0x1, v44;
	v52 =	vand.u32 $0x1, v30;
	v30 =	vmul.f32 v40, v14  }
0x157: {  	v53 =	vld [tilespmem:s13+$0xFFFFFED0];
	v14 =	vmul.f32 v37, v54;
	v35 =	vcvt.s32.f32 v35;
	[tilespmem:$0x1FA40] =	vst v4;
	v4 =	vsel vm14, $0x77EFDFFF, v0  }
0x158: {  	v61 =	vld [tilespmem:s13+$0xFFFFFF40];
	vm15 =	vlt.s32 v20, $0x20;
	v10 =	vshrl.u32 v4, v10;
	v37 =	vand.u32 $0x1, v6  }
0x159: {  	v6 =	vand.u32 $0x1, v10;
	v10 =	vmul.f32 v35, v5;
	v5 =	vld [tilespmem:s17+$0x190];
	[tilespmem:$0x1FB10] =	vst v1;
	v1 =	vsel vm9, $0x77EFDFFF, v0  }
0x15a: {  	v9 =	vld [tilespmem:s13+$0xFFFFFF80];
	v20 =	vand.u32 $0x1F, v20;
	v54 =	vsel vm15, $0x77EFDFFF, v0;
	v1 =	vshrl.u32 v1, v25  }
0x15b: {  	v19 =	vand.u32 $0x1F, v19;
	v20 =	vshrl.u32 v54, v20;
	v54 =	vand.u32 $0x1, v1;
	v1 =	vld [tilespmem:s13+$0x80]  }
0x15c: {  	v55 =	vcvt.s32.f32 v2;
	v17 =	vld [tilespmem:s17+$0x50];
	v2 =	vshrl.u32 v58, v19  }
0x15d: {  	v44 =	vand.u32 $0x1, v2;
	v2 =	vld [tilespmem:s17+$0xB0]  }
0x15e: {  	[tilespmem:$0x1FBB0] =	vst v5;
	v5 =	vld [tilespmem:$0x1FA70]  }
0x15f: {  	[tilespmem:$0x1FC90] =	vst v36;
	v29 =	vand.u32 $0x1, v29;
	v39 =	vcvt.s32.f32 v39;
	v18 =	vld [tilespmem:s13+$0xFFFFFE30]  }
0x160: {  	s14 =	sadd.s32 $0x400, s14;
	v36 =	vand.u32 $0x1, v51;
	v42 =	vcvt.s32.f32 v42;
	v45 =	vcvt.s32.f32 v29;
	[tilespmem:$0x1FBC0] =	vst v1;
	v1 =	vld [tilespmem:s13+$0x90]  }
0x161: {  	v41 =	vand.u32 $0x1, v3;
	v47 =	vmul.f32 v39, v13;
	v11 =	vcvt.s32.f32 v44;
	[tilespmem:s14+$0x1F0] =	vst v15;
	v15 =	vld [tilespmem:s13+$0xFFFFFE40]  }
0x162: {  	v41 =	vcvt.s32.f32 v41;
	v58 =	vld [tilespmem:s13+$0xFFFFFEE0];
	v19 =	vcvt.s32.f32 v36;
	[tilespmem:$0x1FDD0] =	vst v30  }
0x163: {  	v3 =	vsel vm13, $0x77EFDFFF, v0;
	[tilespmem:$0x1FDC0] =	vst v47;
	v30 =	vadd.f32 v30, v47;
	v47 =	vmul.f32 v11, v5;
	v5 =	vld [tilespmem:s13+$0x20]  }
0x164: {  	v36 =	vld [tilespmem:s13+$0xFFFFFF30];
	vm13 =	vlt.s32 v7, $0x20;
	v40 =	vshrl.u32 v32, v33;
	[tilespmem:$0x1FAC0] =	vst v2;
	v2 =	vsel vm12, $0x77EFDFFF, v0  }
0x165: {  	v33 =	vmul.f32 v41, v26;
	v2 =	vshrl.u32 v2, v34;
	v34 =	vcvt.s32.f32 v62;
	[tilespmem:$0x1FBD0] =	vst v1;
	v1 =	vld [tilespmem:s13+$0xA0]  }
0x166: {  	v7 =	vand.u32 $0x1F, v7;
	v41 =	vld [tilespmem:$0x1FA50];
	v29 =	vmul.f32 v57, v18;
	v18 =	vmul.f32 v59, v15  }
0x167: {  	v4 =	vld [tilespmem:$0x1FA40];
	v15 =	vshrl.u32 v3, v49;
	v3 =	vand.u32 $0x1, v2;
	v2 =	vsel vm13, $0x77EFDFFF, v0  }
0x168: {  	v43 =	vcvt.s32.f32 v43;
	v38 =	vcvt.s32.f32 v38;
	v2 =	vshrl.u32 v2, v7;
	[tilespmem:$0x1FB70] =	vst v5;
	v5 =	vld [tilespmem:$0x1FA80]  }
0x169: {  	v13 =	vmul.f32 v55, v60;
	v25 =	vmul.f32 v34, v61;
	v61 =	vand.u32 $0x1, v2;
	v2 =	vld [tilespmem:s13+$0xD0]  }
0x16a: {  	v60 =	vmul.f32 v45, v56;
	v51 =	vand.u32 $0x1, v46;
	v26 =	vmul.f32 v42, v12;
	[tilespmem:$0x1FBE0] =	vst v1;
	v1 =	vld [tilespmem:s13+$0xB0]  }
0x16b: {  	v46 =	vld [tilespmem:s13+$0xFFFFFF50];
	v12 =	vmul.f32 v43, v31;
	v44 =	vcvt.s32.f32 v51  }
0x16c: {  	v31 =	vcvt.s32.f32 v52;
	[tilespmem:$0x1FAE0] =	vst v9;
	vm10 =	vlt.s32 v4, $0x20;
	v21 =	vand.u32 $0x1F, v4;
	v11 =	vld [tilespmem:$0x1FAA0]  }
0x16d: {  	[tilespmem:$0x1FE50] =	vst v60;
	v4 =	vand.u32 $0x1F, v41;
	vm11 =	vlt.s32 v41, $0x20;
	v41 =	vmul.f32 v44, v5;
	v5 =	vld [tilespmem:s13+$0x30]  }
0x16e: {  	v9 =	vmul.f32 v50, v16;
	v16 =	vmul.f32 v19, v53;
	[tilespmem:$0x1FC10] =	vst v2;
	v2 =	vld [tilespmem:$0x1FAE0]  }
0x16f: {  	v50 =	vcvt.s32.f32 v63;
	v19 =	vmul.f32 v38, v58;
	v58 =	vand.u32 $0x1, v8;
	[tilespmem:$0x1FBF0] =	vst v1;
	v1 =	vld [tilespmem:s13+$0xC0]  }
0x170: {  	v39 =	vld [tilespmem:s17+$0xD0];
	[tilespmem:$0x1FE10] =	vst v33;
	v43 =	vadd.f32 v33, v13;
	v33 =	vadd.f32 v60, v26;
	v60 =	vmul.f32 v31, v36  }
0x171: {  	v32 =	vld [tilespmem:s17+$0xE0];
	v8 =	vmul.f32 v27, v28;
	vm12 =	vlt.s32 v22, $0x20;
	v51 =	vand.u32 $0x1, v40  }
0x172: {  	[tilespmem:$0x1FE40] =	vst v26;
	v22 =	vand.u32 $0x1F, v22;
	v42 =	vadd.f32 v16, v9;
	v26 =	vcvt.s32.f32 v51;
	v28 =	vld [tilespmem:$0x1FAB0]  }
0x173: {  	v62 =	vsel vm10, $0x77EFDFFF, v0;
	[tilespmem:$0x1FB80] =	vst v5;
	v5 =	vmul.f32 v50, v46;
	v50 =	vcvt.s32.f32 v6;
	v6 =	vld [tilespmem:$0x1FA90]  }
0x174: {  	vm10 =	vlt.s32 v11, $0x20;
	[tilespmem:$0x1FC00] =	vst v1;
	v1 =	vand.u32 $0x1F, v11;
	v11 =	vmul.f32 v26, v2;
	v2 =	vld [tilespmem:s13+$0x100]  }
0x175: {  	[tilespmem:$0x1FF10] =	vst v16;
	v16 =	vcvt.s32.f32 v58;
	v38 =	vsel vm12, $0x77EFDFFF, v0;
	vm14 =	vlt.s32 v17, $0x20  }
0x176: {  	vm15 =	vlt.s32 v32, $0x20;
	v17 =	vand.u32 $0x1F, v17;
	v53 =	vsel vm14, $0x77EFDFFF, v0  }
0x177: {  	vm14 =	vlt.s32 v39, $0x20;
	v63 =	vsel vm11, $0x77EFDFFF, v0;
	vm11 =	vlt.s32 v28, $0x20  }
0x178: {  	[tilespmem:$0x1FEF0] =	vst v24;
	v31 =	vld [tilespmem:$0x1FAC0];
	v40 =	vadd.f32 v12, v29;
	v35 =	vadd.f32 v24, v18;
	v7 =	vsel vm11, $0x77EFDFFF, v0  }
0x179: {  	v46 =	vand.u32 $0x1F, v28;
	vm9 =	vlt.s32 v6, $0x20;
	v24 =	vand.u32 $0x1F, v6;
	[tilespmem:$0x1FC20] =	vst v2;
	v2 =	vld [tilespmem:$0x1FAF0]  }
0x17a: {  	v6 =	vand.u32 $0x1F, v39;
	v39 =	vand.u32 $0x1F, v32;
	v32 =	vadd.f32 v10, v30  }
0x17b: {  	[tilespmem:$0x1FF40] =	vst v5;
	v30 =	vadd.f32 v60, v40;
	v40 =	vadd.f32 v5, v42;
	v5 =	vshrl.u32 v7, v46;
	v7 =	vld [tilespmem:s13+$0x180]  }
0x17c: {  	v4 =	vshrl.u32 v63, v4;
	v63 =	vcvt.s32.f32 v3;
	v3 =	vshrl.u32 v38, v22  }
0x17d: {  	v55 =	vld [tilespmem:s17+$0x160];
	[tilespmem:$0x1FE00] =	vst v13;
	vm12 =	vlt.s32 v31, $0x20;
	v13 =	vshrl.u32 v53, v17;
	v17 =	vand.u32 $0x1, v3  }
0x17e: {  	v3 =	vand.u32 $0x1F, v31;
	[tilespmem:$0x1FE20] =	vst v47;
	v31 =	vadd.f32 v47, v43;
	v47 =	vmul.f32 v16, v2;
	v2 =	vld [tilespmem:s13+$0x110]  }
0x17f: {  	v48 =	vld [tilespmem:s17+$0x150];
	[tilespmem:$0x1FE70] =	vst v29;
	v29 =	vcvt.s32.f32 v23;
	v23 =	vand.u32 $0x1, v13;
	v13 =	vsel vm12, $0x77EFDFFF, v0  }
0x180: {  	[tilespmem:$0x1FC60] =	vst v7;
	v7 =	vshrl.u32 v13, v3;
	v3 =	vld [tilespmem:s13+$0x190]  }
0x181: {  	v52 =	vld [tilespmem:s17+$0x130]  }
0x182: {  	[tilespmem:$0x1FE80] =	vst v12;
	v53 =	vld [tilespmem:$0x1FAD0]  }
0x183: {  	[tilespmem:$0x1FC30] =	vst v2;
	v2 =	vld [tilespmem:$0x1FB00]  }
0x184: {  	[tilespmem:$0x1FCD0] =	vst v19;
	v36 =	vadd.f32 v19, v14;
	v19 =	vand.u32 $0x1, v20;
	v49 =	vld [tilespmem:s17+$0x140];
	v12 =	vsel vm14, $0x77EFDFFF, v0  }
0x185: {  	vm14 =	vlt.s32 v48, $0x20;
	v15 =	vand.u32 $0x1, v15;
	[tilespmem:$0x1FC70] =	vst v3;
	v3 =	vshrl.u32 v12, v6;
	v6 =	vld [tilespmem:s13+$0x1A0]  }
0x186: {  	[tilespmem:$0x1FF00] =	vst v9;
	v9 =	vld [tilespmem:s13+$0x40];
	vm12 =	vlt.s32 v52, $0x20;
	v52 =	vand.u32 $0x1F, v52;
	v27 =	vcvt.s32.f32 v37  }
0x187: {  	[tilespmem:$0x1FCB0] =	vst v14;
	v58 =	vld [tilespmem:s17+$0x1C0];
	v23 =	vcvt.s32.f32 v23;
	vm13 =	vlt.s32 v53, $0x20;
	v21 =	vshrl.u32 v62, v21  }
0x188: {  	[tilespmem:$0x1FEE0] =	vst v18;
	v14 =	vsel vm13, $0x77EFDFFF, v0;
	v18 =	vand.u32 $0x1, v4;
	v4 =	vmul.f32 v27, v2;
	v2 =	vld [tilespmem:s13+$0x120]  }
0x189: {  	vm13 =	vlt.s32 v49, $0x20;
	v22 =	vcvt.s32.f32 v15;
	v15 =	vsel vm15, $0x77EFDFFF, v0;
	v12 =	vld [tilespmem:$0x1FB20]  }
0x18a: {  	v49 =	vand.u32 $0x1F, v49;
	v21 =	vand.u32 $0x1, v21;
	[tilespmem:$0x1FC80] =	vst v6;
	v6 =	vshrl.u32 v15, v39;
	v15 =	vld [tilespmem:$0x1FB40]  }
0x18b: {  	v45 =	vld [tilespmem:s13+$0xFFFFFFD0];
	vm15 =	vlt.s32 v55, $0x20;
	v55 =	vand.u32 $0x1F, v55;
	v43 =	vcvt.s32.f32 v17  }
0x18c: {  	[tilespmem:$0x1FB90] =	vst v9;
	v17 =	vsel vm13, $0x77EFDFFF, v0;
	vm13 =	vlt.s32 v58, $0x20;
	v9 =	vsel vm10, $0x77EFDFFF, v0;
	v44 =	vld [tilespmem:s17+$0x1A0]  }
0x18d: {  	v28 =	vand.u32 $0x1F, v53;
	v38 =	vsel vm9, $0x77EFDFFF, v0;
	v46 =	vcvt.s32.f32 v61;
	[tilespmem:$0x1FC40] =	vst v2;
	v2 =	vld [tilespmem:$0x1FB10]  }
0x18e: {  	v56 =	vld [tilespmem:s13+$0x50];
	v5 =	vand.u32 $0x1, v5;
	v20 =	vadd.f32 v25, v35;
	v35 =	vadd.f32 v8, v36  }
0x18f: {  	v57 =	vld [tilespmem:s13+$0xFFFFFFC0];
	v13 =	vcvt.s32.f32 v19;
	vm9 =	vlt.s32 v12, $0x20;
	vm11 =	vlt.s32 v15, $0x20  }
0x190: {  	v59 =	vld [tilespmem:s13+$0xFFFFFFE0];
	[tilespmem:$0x1FDE0] =	vst v10;
	v6 =	vand.u32 $0x1, v6;
	v10 =	vsel vm9, $0x77EFDFFF, v0;
	v61 =	vsel vm11, $0x77EFDFFF, v0  }
0x191: {  	v37 =	vld [tilespmem:s17+$0x1E0];
	[tilespmem:$0x1FE60] =	vst v41;
	vm11 =	vlt.s32 v44, $0x20;
	v26 =	vadd.f32 v41, v33;
	v41 =	vand.u32 $0x1F, v12  }
0x192: {  	[tilespmem:$0x1FF30] =	vst v25;
	v1 =	vshrl.u32 v9, v1;
	v9 =	vshrl.u32 v14, v28;
	v25 =	vmul.f32 v63, v2;
	v2 =	vld [tilespmem:s13+$0x130]  }
0x193: {  	v14 =	vand.u32 $0x1, v1;
	[tilespmem:$0x1FE30] =	vst v47;
	v33 =	vadd.f32 v47, v31;
	v19 =	vadd.f32 v4, v26;
	v47 =	vmovc v4;
	v4 =	vld [tilespmem:$0x1FB60]  }
0x194: {  	[tilespmem:$0x1FDF0] =	vst v11;
	v1 =	vsel vm15, $0x77EFDFFF, v0;
	v42 =	vadd.f32 v11, v32;
	v11 =	vld [tilespmem:$0x1FB50];
	v16 =	vmul.f32 v22, v57  }
0x195: {  	v32 =	vand.u32 $0x1F, v48;
	v27 =	vmul.f32 v29, v59;
	v29 =	vcvt.s32.f32 v18;
	v18 =	vld [tilespmem:$0x1FB30]  }
0x196: {  	v62 =	vld [tilespmem:s17+$0x1D0];
	v22 =	vshrl.u32 v38, v24;
	v24 =	vcvt.s32.f32 v54;
	v54 =	vcvt.s32.f32 v21  }
0x197: {  	v34 =	vld [tilespmem:s13+$0x60];
	vm15 =	vlt.s32 v37, $0x20;
	v1 =	vshrl.u32 v1, v55;
	[tilespmem:$0x1FC50] =	vst v2;
	v2 =	vmul.f32 v50, v45  }
0x198: {  	v55 =	vsel vm15, $0x77EFDFFF, v0;
	v57 =	vsel vm14, $0x77EFDFFF, v0;
	v26 =	vmul.f32 v54, v4;
	v4 =	vld [tilespmem:$0x1FB70]  }
0x199: {  	v28 =	vand.u32 $0x1, v22;
	v24 =	vmul.f32 v24, v11;
	[tilespmem:$0x1FF60] =	vst v2;
	v12 =	vadd.f32 v2, v40;
	v2 =	vld [tilespmem:$0x1FB80]  }
0x19a: {  	v31 =	vshrl.u32 v57, v32;
	v32 =	vcvt.s32.f32 v6;
	v6 =	vld [tilespmem:$0x1FBB0];
	vm10 =	vlt.s32 v18, $0x20  }
0x19b: {  	[tilespmem:$0x1FF50] =	vst v16;
	v39 =	vand.u32 $0x1F, v18;
	v18 =	vadd.f32 v16, v20;
	v16 =	vadd.f32 v27, v35  }
0x19c: {  	v51 =	vld [tilespmem:s17+$0x1B0];
	v35 =	vshrl.u32 v10, v41;
	v20 =	vmul.f32 v23, v56;
	v10 =	vmul.f32 v13, v34  }
0x19d: {  	vm14 =	vlt.s32 v62, $0x20;
	v13 =	vcvt.s32.f32 v28;
	v48 =	vmul.f32 v29, v4;
	v4 =	vld [tilespmem:$0x1FBA0]  }
0x19e: {  	[tilespmem:$0x1FE90] =	vst v60;
	v56 =	vcvt.s32.f32 v14;
	v60 =	vsel vm10, $0x77EFDFFF, v0;
	v41 =	vmul.f32 v43, v2;
	v2 =	vld [tilespmem:$0x1FB90]  }
0x19f: {  	v28 =	vcvt.s32.f32 v5;
	vm10 =	vlt.s32 v6, $0x20;
	v11 =	vshrl.u32 v60, v39  }
0x1a0: {  	v39 =	vand.u32 $0x1, v35;
	v50 =	vsel vm12, $0x77EFDFFF, v0;
	v45 =	vand.u32 $0x1F, v15  }
0x1a1: {  	vm12 =	vlt.s32 v51, $0x20;
	v14 =	vshrl.u32 v61, v45;
	v5 =	vshrl.u32 v50, v52  }
0x1a2: {  	v45 =	vsel vm10, $0x77EFDFFF, v0;
	v50 =	vsel vm13, $0x77EFDFFF, v0;
	vm9 =	vlt.s32 v4, $0x20  }
0x1a3: {  	v52 =	vsel vm14, $0x77EFDFFF, v0;
	v35 =	vsel vm9, $0x77EFDFFF, v0;
	v29 =	vmul.f32 v46, v2  }
0x1a4: {  	v2 =	vshrl.u32 v17, v49;
	v46 =	vsel vm11, $0x77EFDFFF, v0;
	v49 =	vsel vm12, $0x77EFDFFF, v0;
	v0 =	vld [tilespmem:$0x1FBC0];
	_ =	sdelay $0x4  }
0x1a5: {  	v57 =	vand.u32 $0x1F, v6;
	v6 =	vmul.f32 v13, v0;
	v0 =	vld [tilespmem:$0x1FBD0];
	_ =	sdelay $0x4  }
0x1a6: {  	v40 =	vand.u32 $0x1, v5;
	v5 =	vmul.f32 v56, v0;
	v0 =	vld [tilespmem:$0x1FBE0];
	_ =	sdelay $0x4  }
0x1a7: {  	v61 =	vand.u32 $0x1F, v62;
	v62 =	vmul.f32 v28, v0;
	v0 =	vld [tilespmem:$0x1FBF0];
	_ =	sdelay $0x1  }
0x1a8: {  	v7 =	vand.u32 $0x1, v7  }
0x1a9: {  	v7 =	vcvt.s32.f32 v7;
	_ =	sdelay $0x1  }
0x1aa: {  	v60 =	vand.u32 $0x1F, v58;
	v58 =	vmul.f32 v7, v0;
	v0 =	vld [tilespmem:$0x1FC00];
	_ =	sdelay $0x1  }
0x1ab: {  	v9 =	vand.u32 $0x1, v9  }
0x1ac: {  	v9 =	vcvt.s32.f32 v9  }
0x1ad: {  	v3 =	vand.u32 $0x1, v3  }
0x1ae: {  	v1 =	vand.u32 $0x1, v1;
	v17 =	vand.u32 $0x1F, v37;
	v37 =	vmul.f32 v9, v0;
	v0 =	vld [tilespmem:$0x1FC10]  }
0x1af: {  	v53 =	vld [tilespmem:s13+$0xE0];
	v9 =	vshrl.u32 v45, v57;
	v57 =	vcvt.s32.f32 v1;
	v1 =	vshrl.u32 v52, v61  }
0x1b0: {  	v3 =	vcvt.s32.f32 v3;
	v61 =	vand.u32 $0x1, v1;
	v1 =	vld [tilespmem:$0x1FC20]  }
0x1b1: {  	v44 =	vand.u32 $0x1F, v44;
	v43 =	vand.u32 $0x1F, v4;
	v34 =	vand.u32 $0x1, v2  }
0x1b2: {  	v2 =	vadd.f32 v29, v18;
	v18 =	vadd.f32 v20, v12;
	v12 =	vshrl.u32 v46, v44  }
0x1b3: {  	v7 =	vshrl.u32 v35, v43;
	v35 =	vmul.f32 v3, v0;
	v3 =	vcvt.s32.f32 v39  }
0x1b4: {  	v56 =	vmovc v20;
	v20 =	vmul.f32 v32, v53;
	v53 =	vshrl.u32 v50, v60;
	v60 =	vand.u32 $0x1, v7  }
0x1b5: {  	v7 =	vshrl.u32 v55, v17;
	v17 =	vand.u32 $0x1, v12;
	v12 =	vmul.f32 v3, v1;
	v1 =	vld [tilespmem:$0x1FC30];
	_ =	sdelay $0x1  }
0x1b6: {  	v11 =	vand.u32 $0x1, v11  }
0x1b7: {  	v11 =	vcvt.s32.f32 v11;
	_ =	sdelay $0x1  }
0x1b8: {  	v11 =	vmul.f32 v11, v1;
	v1 =	vld [tilespmem:$0x1FC40]  }
0x1b9: {  	[tilespmem:$0x1FCF0] =	vst v8;
	v8 =	vld [tilespmem:s13+$0x160]  }
0x1ba: {  	v14 =	vand.u32 $0x1, v14  }
0x1bb: {  	v63 =	vld [tilespmem:s13+$0x140];
	v14 =	vcvt.s32.f32 v14  }
0x1bc: {  	v4 =	vadd.f32 v24, v42  }
0x1bd: {  	v0 =	vcvt.s32.f32 v34;
	v34 =	vand.u32 $0x1, v7;
	v7 =	vmul.f32 v14, v1;
	v1 =	vld [tilespmem:$0x1FC50]  }
0x1be: {  	v14 =	vadd.f32 v35, v18;
	v18 =	vmul.f32 v57, v8;
	v8 =	vld [tilespmem:$0x1FC60]  }
0x1bf: {  	v16 =	vadd.f32 v10, v16;
	v4 =	vadd.f32 v6, v4  }
0x1c0: {  	v28 =	vcvt.s32.f32 v40;
	v45 =	vmul.f32 v0, v63  }
0x1c1: {  	v0 =	vadd.f32 v20, v16;
	v16 =	vadd.f32 v12, v4;
	v4 =	vcvt.s32.f32 v60  }
0x1c2: {  	v33 =	vadd.f32 v26, v33;
	v32 =	vand.u32 $0x1, v53;
	v1 =	vmul.f32 v28, v1  }
0x1c3: {  	v28 =	vcvt.s32.f32 v32;
	v32 =	vmul.f32 v4, v8;
	v4 =	vld [tilespmem:$0x1FC70]  }
0x1c4: {  	v3 =	vadd.f32 v5, v33  }
0x1c5: {  	v9 =	vand.u32 $0x1, v9  }
0x1c6: {  	v23 =	vadd.f32 v11, v3;
	v3 =	vcvt.s32.f32 v9  }
0x1c7: {  	v13 =	vadd.f32 v48, v19  }
0x1c8: {  	v46 =	vmul.f32 v3, v4;
	v3 =	vld [tilespmem:$0x1FC80]  }
0x1c9: {  	v13 =	vadd.f32 v62, v13  }
0x1ca: {  	v59 =	vld [tilespmem:s13+$0x150]  }
0x1cb: {  	v31 =	vand.u32 $0x1, v31;
	v9 =	vadd.f32 v7, v13;
	v13 =	vcvt.s32.f32 v17  }
0x1cc: {  	v22 =	vld [tilespmem:s13+$0x1E0];
	v31 =	vcvt.s32.f32 v31  }
0x1cd: {  	v54 =	vadd.f32 v25, v30;
	v4 =	vmul.f32 v13, v3;
	v13 =	vadd.f32 v32, v16  }
0x1ce: {  	v8 =	vadd.f32 v46, v23  }
0x1cf: {  	v36 =	vld [tilespmem:s13+$0x1C0];
	v44 =	vmul.f32 v31, v59;
	v31 =	vcvt.s32.f32 v34;
	v13 =	vadd.f32 $1.000000010e-10, v13  }
0x1d0: {  	v38 =	vld [tilespmem:s13+$0x1B0];
	v51 =	vand.u32 $0x1F, v51;
	v19 =	vadd.f32 v41, v54;
	v8 =	vadd.f32 $1.000000010e-10, v8  }
0x1d1: {  	v54 =	vmovc v29;
	v29 =	vshrl.u32 v49, v51;
	v16 =	vmul.f32 v31, v22;
	v22 =	vld [tilespmem:$0x1FC90];
	(erf) = vrcp.f32 v13  }
0x1d2: {  	v29 =	vand.u32 $0x1, v29;
	(erf) = vrcp.f32 v8;
	v8 =	vld [tilespmem:$0x1FD10]  }
0x1d3: {  	v21 =	vld [tilespmem:s13+$0x1D0];
	v19 =	vadd.f32 v58, v19;
	v17 =	vcvt.s32.f32 v29;
	v9 =	vadd.f32 v4, v9  }
0x1d4: {  	v2 =	vadd.f32 v37, v2  }
0x1d5: {  	v19 =	vadd.f32 v1, v19;
	v3 =	vmul.f32 v17, v38;
	v9 =	vadd.f32 $1.000000010e-10, v9  }
0x1d6: {  	v15 =	vld [tilespmem:$0x1FCB0];
	v2 =	vadd.f32 v45, v2;
	v29 =	vcvt.s32.f32 v61;
	v52 =	vmul.f32 v28, v36  }
0x1d7: {  	v17 =	vadd.f32 v3, v19;
	(erf) = vrcp.f32 v9;
	v9 =	vld [tilespmem:$0x1FD20];
	v8 =	vmul.f32 v22, v8  }
0x1d8: {  	v14 =	vadd.f32 v44, v14;
	v51 =	vmul.f32 v29, v21;
	v2 =	vadd.f32 v52, v2  }
0x1d9: {  	v0 =	vadd.f32 v18, v0;
	v17 =	vadd.f32 $1.000000010e-10, v17;
	[tilespmem:s15+$0x60] =	vst v8;
	v8 =	vld [tilespmem:$0x1FD30]  }
0x1da: {  	v14 =	vadd.f32 v51, v14;
	v2 =	vadd.f32 $1.000000010e-10, v2  }
0x1db: {  	v63 =	vmov v15;
	v15 =	vld [tilespmem:$0x1FCD0];
	v0 =	vadd.f32 v16, v0;
	(erf) = vrcp.f32 v17  }
0x1dc: {  	v14 =	vadd.f32 $1.000000010e-10, v14;
	v38 =	vmovc v10;
	(erf) = vrcp.f32 v2;
	v2 =	vld [tilespmem:$0x1FF70];
	v10 =	vmul.f32 v22, v9;
	v9 =	vmovc v16  }
0x1dd: {  	v0 =	vadd.f32 $1.000000010e-10, v0;
	[tilespmem:$0x1FF70] =	vst v9;
	v9 =	vld [tilespmem:$0x1FD40]  }
0x1de: {  	(erf) = vrcp.f32 v14;
	[tilespmem:s15+$0xE0] =	vst v10;
	v10 =	vld [tilespmem:$0x1FD50];
	v8 =	vmul.f32 v22, v8  }
0x1df: {  	(erf) = vrcp.f32 v0;
	v0 =	vld [tilespmem:$0x1FD70]  }
0x1e0: {  	[tilespmem:s15+$0x160] =	vst v8;
	v8 =	vld [tilespmem:$0x1FD60];
	_ =	sdelay $0x1  }
0x1e1: {  	v2 =	vmul.f32 v22, v2  }
0x1e2: {  	v60 =	vmov v15;
	v15 =	vld [tilespmem:$0x1FCF0];
	v9 =	vmul.f32 v10, v9  }
0x1e3: {  	[tilespmem:s15+$0x1E0] =	vst v2;
	v2 =	vld [tilespmem:$0x1FD80];
	v0 =	vmul.f32 v10, v0  }
0x1e4: {  	[tilespmem:s14+$0xFFFFFE70] =	vst v9;
	v9 =	vld [tilespmem:$0x1FDA0];
	v8 =	vmul.f32 v10, v8  }
0x1e5: {  	[tilespmem:s14+$0xFFFFFF70] =	vst v0;
	v0 =	vld [tilespmem:$0x1FDB0]  }
0x1e6: {  	[tilespmem:s14+$0xFFFFFEF0] =	vst v8;
	v8 =	vld [tilespmem:$0x1FD90];
	_ =	sdelay $0x3  }
0x1e7: {  	v2 =	vmul.f32 v10, v2;
	v43 =	vmul.f32 v10, v9  }
0x1e8: {  	v50 =	vmov v15;
	v42 =	vmul.f32 v10, v0;
	v15 =	vmul.f32 v10, v8;
	v10 =	vld [tilespmem:$0x1FDD0]  }
0x1e9: {  	v9 =	vld [tilespmem:$0x1FDC0]  }
0x1ea: {  	v14 =	vld [tilespmem:$0x1FDF0]  }
0x1eb: {  	[tilespmem:s14+$0xFFFFFFF0] =	vst v2;
	v2 =	vld [tilespmem:$0x1FDE0]  }
0x1ec: {  	v0 =	vpop (erf)  }
0x1ed: {  	v10 =	vmul.f32 v0, v10  }
0x1ee: {  	v21 =	vld [tilespmem:$0x1FCC0];
	v9 =	vmul.f32 v0, v9  }
0x1ef: {  	v14 =	vmul.f32 v0, v14;
	[tilespmem:s14+$0xFFFFFE80] =	vst v10;
	v10 =	vmul.f32 v0, v12;
	v12 =	vld [tilespmem:$0x1FE20]  }
0x1f0: {  	v19 =	vld [tilespmem:$0x1FCA0];
	v2 =	vmul.f32 v0, v2;
	[tilespmem:s14+$0xFFFFFE00] =	vst v9;
	v9 =	vmul.f32 v0, v24  }
0x1f1: {  	[tilespmem:s14+$0x70] =	vst v15;
	v15 =	vmul.f32 v0, v6;
	v0 =	vmul.f32 v0, v32;
	_ =	sdelay $0x1  }
0x1f2: {  	v13 =	vpop (erf);
	[tilespmem:s14+$0x180] =	vst v0;
	v0 =	vld [tilespmem:$0x1FE60]  }
0x1f3: {  	v21 =	vmul.f32 v22, v21;
	[tilespmem:s14+$0xFFFFFF80] =	vst v14;
	v14 =	vmul.f32 v13, v12;
	v12 =	vld [tilespmem:$0x1FE30]  }
0x1f4: {  	v19 =	vmul.f32 v22, v19  }
0x1f5: {  	[tilespmem:s15+$0xFFFFFEE0] =	vst v21;
	v21 =	vld [tilespmem:$0x1FD00]  }
0x1f6: {  	[tilespmem:s15+$0xFFFFFE60] =	vst v19;
	v19 =	vld [tilespmem:$0x1FCE0]  }
0x1f7: {  	v61 =	vmul.f32 v13, v5;
	v5 =	vld [tilespmem:$0x1FE40];
	v8 =	vpop (erf)  }
0x1f8: {  	v49 =	vmov v20;
	v20 =	vmul.f32 v13, v12;
	v12 =	vmul.f32 v8, v0;
	v0 =	vld [tilespmem:$0x1FE70]  }
0x1f9: {  	[tilespmem:s14+$0xFFFFFF00] =	vst v2;
	v2 =	vld [tilespmem:$0x1FE00];
	_ =	sdelay $0x1  }
0x1fa: {  	v21 =	vmul.f32 v22, v21;
	v19 =	vmul.f32 v22, v19  }
0x1fb: {  	v23 =	vmul.f32 v13, v26;
	v17 =	vpop (erf);
	v31 =	vmul.f32 v8, v5;
	v5 =	vld [tilespmem:$0x1FE50]  }
0x1fc: {  	[tilespmem:s15+$0xFFFFFFE0] =	vst v21;
	v29 =	vmul.f32 v8, v7;
	v7 =	vmul.f32 v17, v0;
	v0 =	vld [tilespmem:$0x1FE80]  }
0x1fd: {  	v57 =	vmov v18;
	[tilespmem:s15+$0xFFFFFF60] =	vst v19;
	v18 =	vmul.f32 v13, v2;
	v2 =	vld [tilespmem:$0x1FE10]  }
0x1fe: {  	[tilespmem:s14+$0x10] =	vst v23  }
0x1ff: {  	v30 =	vmul.f32 v13, v46;
	[tilespmem:s14+$0x90] =	vst v61  }
0x200: {  	s16 =	sadd.s32 $0x8, s16;
	v28 =	vmul.f32 v8, v4;
	[tilespmem:s14+$0x0] =	vst v9;
	v9 =	vmul.f32 v8, v48  }
0x201: {  	p0 =	slt.u32 s16, $0x38;
	[tilespmem:s14+$0xFFFFFE10] =	vst v18;
	v18 =	vmul.f32 v17, v3;
	v22 =	vmul.f32 v17, v0;
	v0 =	vld [tilespmem:$0x1FE90]  }
.Ltmp0:
0x202: {  	[tilespmem:s14+$0x80] =	vst v15;
	v16 =	vmul.f32 v8, v5;
	v19 =	vmul.f32 v13, v2;
	(pc) =	sbr.rel @p0 .LBB2_2-.Ltmp0, $4  }
0x203: {  	v5 =	vmul.f32 v8, v62;
	v32 =	vmul.f32 v13, v11;
	[tilespmem:s14+$0x100] =	vst v10  }
0x204: {  	v6 =	vpop (erf);
	v11 =	vmul.f32 v8, v47;
	v10 =	vmul.f32 v17, v58;
	[tilespmem:s14+$0xFFFFFE90] =	vst v19  }
0x205: {  	v2 =	vpop (erf);
	v19 =	vmul.f32 v17, v1;
	[tilespmem:s14+$0xFFFFFF10] =	vst v14;
	v8 =	vmul.f32 v17, v25  }
0x206: {  	s17 =	sadd.s32 $0x400, s17;
	v34 =	vmov v27;
	s15 =	smov.u32 s14;
	v36 =	vpop (erf);
	[tilespmem:s14+$0xFFFFFF90] =	vst v20;
	v20 =	vmul.f32 v17, v41;
	v21 =	vmul.f32 v17, v0  }
0x207: {  	[tilespmem:s14+$0x110] =	vst v32  }
0x208: {  	[tilespmem:s14+$0x190] =	vst v30  }
0x209: {  	[tilespmem:s14+$0xFFFFFE20] =	vst v31  }
0x20a: {  	[tilespmem:s14+$0xFFFFFEA0] =	vst v16  }
0x20b: {  	[tilespmem:s14+$0xFFFFFF20] =	vst v12  }
0x20c: {  	[tilespmem:s14+$0xFFFFFFA0] =	vst v11  }
0x20d: {  	[tilespmem:s14+$0x20] =	vst v9  }
0x20e: {  	[tilespmem:s14+$0xA0] =	vst v5  }
0x20f: {  	[tilespmem:s14+$0x120] =	vst v29  }
0x210: {  	[tilespmem:s14+$0x1A0] =	vst v28  }
0x211: {  	[tilespmem:s14+$0xFFFFFE30] =	vst v7  }
0x212: {  	[tilespmem:s14+$0xFFFFFEB0] =	vst v22  }
0x213: {  	[tilespmem:s14+$0xFFFFFFB0] =	vst v8  }
0x214: {  	[tilespmem:s14+$0xB0] =	vst v10  }
0x215: {  	[tilespmem:s14+$0xFFFFFF30] =	vst v21  }
0x216: {  	[tilespmem:s14+$0x30] =	vst v20  }
0x217: {  	v0 =	vld [tilespmem:$0x1FEE0];
	_ =	sdelay $0x2  }
0x218: {  	[tilespmem:s14+$0x130] =	vst v19  }
0x219: {  	v1 =	vld [tilespmem:$0x1FEF0];
	[tilespmem:s14+$0x1B0] =	vst v18  }
0x21a: {  	v3 =	vld [tilespmem:$0x1FF30];
	v0 =	vmul.f32 v6, v0;
	_ =	sdelay $0x1  }
0x21b: {  	[tilespmem:s14+$0xFFFFFE40] =	vst v0  }
0x21c: {  	v0 =	vld [tilespmem:$0x1FF50]  }
0x21d: {  	v1 =	vmul.f32 v6, v1  }
0x21e: {  	v3 =	vmul.f32 v6, v3  }
0x21f: {  	[tilespmem:s14+$0xFFFFFEC0] =	vst v1;
	v1 =	vmul.f32 v6, v54  }
0x220: {  	[tilespmem:s14+$0xFFFFFF40] =	vst v3;
	v3 =	vmul.f32 v6, v37  }
0x221: {  	[tilespmem:s14+$0x40] =	vst v1;
	v0 =	vmul.f32 v6, v0  }
0x222: {  	[tilespmem:s14+$0xC0] =	vst v3  }
0x223: {  	[tilespmem:s14+$0xFFFFFFC0] =	vst v0  }
0x224: {  	v0 =	vmul.f32 v6, v45;
	v3 =	vld [tilespmem:$0x1FF00]  }
0x225: {  	v1 =	vmul.f32 v6, v52  }
0x226: {  	[tilespmem:s14+$0x140] =	vst v0  }
0x227: {  	v0 =	vld [tilespmem:$0x1FF10];
	[tilespmem:s14+$0x1C0] =	vst v1  }
0x228: {  	v1 =	vld [tilespmem:$0x1FF40]  }
0x229: {  	v3 =	vmul.f32 v2, v3;
	_ =	sdelay $0x1  }
0x22a: {  	[tilespmem:s14+$0xFFFFFE50] =	vst v3  }
0x22b: {  	v0 =	vmul.f32 v2, v0;
	v3 =	vld [tilespmem:$0x1FF60];
	[tilespmem:s14+$0xF0] =	vst v43  }
0x22c: {  	v1 =	vmul.f32 v2, v1;
	[tilespmem:s14+$0x170] =	vst v42  }
0x22d: {  	[tilespmem:s14+$0xFFFFFED0] =	vst v0;
	v0 =	vmul.f32 v2, v56  }
0x22e: {  	[tilespmem:s14+$0xFFFFFF50] =	vst v1;
	v1 =	vmul.f32 v2, v35  }
0x22f: {  	[tilespmem:s14+$0x50] =	vst v0;
	v0 =	vmul.f32 v2, v51  }
0x230: {  	[tilespmem:s14+$0xD0] =	vst v1;
	v1 =	vmul.f32 v36, v60  }
0x231: {  	v3 =	vmul.f32 v2, v3;
	[tilespmem:s14+$0x1D0] =	vst v0  }
0x232: {  	v0 =	vmul.f32 v36, v63;
	[tilespmem:s15+$0xFFFFFEE0] =	vst v1  }
0x233: {  	v1 =	vmul.f32 v36, v34;
	[tilespmem:s14+$0xFFFFFFD0] =	vst v3  }
0x234: {  	v3 =	vmul.f32 v2, v44;
	[tilespmem:s15+$0xFFFFFE60] =	vst v0  }
0x235: {  	v0 =	vmul.f32 v36, v50;
	[tilespmem:s15+$0xFFFFFFE0] =	vst v1  }
0x236: {  	v1 =	vmul.f32 v36, v49;
	[tilespmem:s14+$0x150] =	vst v3  }
0x237: {  	[tilespmem:s15+$0xFFFFFF60] =	vst v0;
	v0 =	vmul.f32 v36, v38  }
0x238: {  	[tilespmem:s15+$0xE0] =	vst v1  }
0x239: {  	[tilespmem:s15+$0x60] =	vst v0  }
0x23a: {  	v1 =	vld [tilespmem:$0x1FF70];
	_ =	sdelay $0x3  }
0x23b: {  	v0 =	vmul.f32 v36, v57  }
0x23c: {  	s12 =	sadd.s32 $0x1, s12;
	v1 =	vmul.f32 v36, v1  }
0x23d: {  	p0 =	sne.s32 s12, s6;
	[tilespmem:s15+$0x160] =	vst v0  }
.Ltmp1:
0x23e: {  	[tilespmem:s15+$0x1E0] =	vst v1;
	(pc) =	sbr.rel @p0 .LBB2_1-.Ltmp1, $4  }
0x23f: {  	[hbm4b:s5+s2] =	stream.linear.scatter [tilespmem:s10], [sflag:$0x3], $0x2000, $0x38;
	[tilespmem:$0x6000] =	vst v63  }
0x240: {  	_ =	swait.ge [sflag:s11], $0x2000  }
0x241: {  	[sflag:s11] =	ssyncset.done $0x0  }
0x242: {  	v0 =	vimm.s32 $0xFDEFFFAF;
	[sflag:s11] =	ssyncadd.s32 $0xFFFFE000  }
0x243: {  	_ =	sfence.sel $0x180000  }
0x244: {  	[bflag:$0x0] =	sbarrier.arrive $0xFFFF  }
0x245: {  	p0 =	sne.s32 s1, $0x0;
	_ =	strace $0x90000047  }
0x246: {  	s0 =	sadd.s32 @!p0 $0x100000, s0;
	[bflag:$0x2] =	sbarrier.arrive $0xFFFF  }
0x247: {  	[sflag:s0] =	ssyncadd.tile.s32 @!p0 $0x1;
	_ =	shalt  }
.Lfunc_end2:
_tile_overlayer_lowered:
.L_overlay_start_2:
0x248: {  	(tag) =	ssettag $0x2  }
0x249: {  	s0 =	rddreg [dreg:$0x0];
	s2 =	stileid.u32  }
0x24a: {  	s1 =	rddreg [dreg:$0x1];
	p0 =	sne.s32 s2, $0x0  }
0x24b: {  	s3 =	rddreg [dreg:$0x2];
	[bflag:$0x3] =	sbarrier.arrive $0xFFFF;
	s2 =	simm.s32 @!p0 $0x1C03  }
0x24c: {  	[timem:s3], [sflag:s2] =	dma.local @!p0 [hbm:s0], s1  }
0x24d: {  	s0 =	simm.s32 @!p0 $0x3  }
0x24e: {  	_ =	swait.ge @!p0 [sflag:s0], s1  }
0x24f: {  	s1 =	ssub.s32 @!p0 $0x0, s1;
	[sflag:s0] =	ssyncset.done @!p0 $0x0  }
0x250: {  	[sflag:s0] =	ssyncadd.s32 @!p0 s1  }
0x251: {  	[bflag:$0x3] =	sbarrier.arrive $0xFFFF  }
0x252: {  	_ =	shalt  }

</sc_bundles>
